<compile_context>
chip_gen: v7x
topology: tpu7x:2x2x1
jax: 0.10.2.dev20260603
libtpu: 0.0.44.dev20260713+nightly
codegen_flags: <defaults>
</compile_context>

<pallas_src>
import functools

import jax
import jax.numpy as jnp
from jax import lax
from jax.experimental import pallas as pl
from jax.experimental.pallas import tpu as pltpu
from jax.experimental.pallas import tpu_sc as plsc

_N = 10000
_D = 128
_E = 320000

_NC = 2
_NS = 16
_NW = _NC * _NS

_NPAD = 10240
_NY = 10112
_TSY = _NPAD // _NS
_TSG = _NY // _NS

_CHUNK = 256
_G = _CHUNK // 128
_NCHUNKS_TOT = 1280
_EPAD = _NCHUNKS_TOT * _CHUNK
_NCH = _NCHUNKS_TOT // _NW


def _mesh():
    return plsc.VectorSubcoreMesh(
        core_axis_name="c", subcore_axis_name="s",
        num_cores=_NC, num_subcores=_NS)


def _deg_body(idx_hbm, ones_hbm, zeros_hbm, out_hbm, idx_v, ones_v, hist_sh):
    c = lax.axis_index("c")
    s = lax.axis_index("s")
    wid = s * _NC + c
    pltpu.sync_copy(ones_hbm, ones_v)
    pltpu.sync_copy(zeros_hbm, hist_sh.at[pl.ds(s * _TSY, _TSY)])
    plsc.subcore_barrier()

    def chunk(k, carry):
        cid = wid * _NCH + k
        pltpu.sync_copy(idx_hbm.at[cid], idx_v)
        for j in range(_G):
            pltpu.sync_copy(ones_v, hist_sh.at[idx_v.at[j]], add=True)
        return carry

    lax.fori_loop(0, _NCH, chunk, 0)
    plsc.subcore_barrier()
    pltpu.sync_copy(hist_sh.at[pl.ds(s * _TSY, _TSY)],
                    out_hbm.at[c, pl.ds(s * _TSY, _TSY)])


@functools.lru_cache(maxsize=None)
def _deg_call():
    return pl.kernel(
        _deg_body,
        out_type=jax.ShapeDtypeStruct((_NC, _NPAD, _D), jnp.float32),
        mesh=_mesh(),
        scratch_types=[
            pltpu.VMEM((_G, 128), jnp.int32),
            pltpu.VMEM((128, _D), jnp.float32),
            pltpu.VMEM_SHARED((_NPAD, _D), jnp.float32),
        ],
    )


def _hop_body(y_hbm, idx_hbm, out_hbm, idx_v, rows_v, acc_sh, gsem, ssem):
    c = lax.axis_index("c")
    s = lax.axis_index("s")
    wid = s * _NC + c
    pltpu.sync_copy(y_hbm.at[pl.ds(s * _TSG, _TSG)],
                    acc_sh.at[pl.ds(s * _TSG, _TSG)])
    plsc.subcore_barrier()

    def chunk(k, carry):
        cid = wid * _NCH + k
        pltpu.sync_copy(idx_hbm.at[cid], idx_v)
        gh = [
            pltpu.async_copy(y_hbm.at[idx_v.at[2 * j + 1]],
                             rows_v.at[j], gsem)
            for j in range(_G)
        ]
        sh = []
        for j in range(_G):
            gh[j].wait()
            sh.append(
                pltpu.async_copy(rows_v.at[j], acc_sh.at[idx_v.at[2 * j]],
                                 ssem, add=True))
        for h in sh:
            h.wait()
        return carry

    lax.fori_loop(0, _NCH, chunk, 0)
    plsc.subcore_barrier()
    pltpu.sync_copy(acc_sh.at[pl.ds(s * _TSG, _TSG)],
                    out_hbm.at[c, pl.ds(s * _TSG, _TSG)])


@functools.lru_cache(maxsize=None)
def _hop_call():
    return pl.kernel(
        _hop_body,
        out_type=jax.ShapeDtypeStruct((_NC, _NY, _D), jnp.float32),
        mesh=_mesh(),
        scratch_types=[
            pltpu.VMEM((2 * _G, 128), jnp.int32),
            pltpu.VMEM((_G, 128, _D), jnp.float32),
            pltpu.VMEM_SHARED((_NY, _D), jnp.float32),
            pltpu.SemaphoreType.DMA,
            pltpu.SemaphoreType.DMA,
        ],
    )


def _deg_from_partials(degp):
    return degp[0, :_NY, 0:1] + degp[1, :_NY, 0:1] + 1.0


def _prep_tc(x_ref, degp_ref, y0_ref):
    x = x_ref[...]
    m = jnp.mean(x, axis=0, keepdims=True)
    xc = x - m
    var = jnp.sum(xc * xc, axis=0, keepdims=True) / (_N - 1)
    std = jnp.sqrt(var)
    std = jnp.where(std == 0.0, 1.0, std)
    xn = xc / std
    xn = jnp.concatenate([xn, jnp.zeros((_NY - _N, _D), jnp.float32)], axis=0)
    deg = _deg_from_partials(degp_ref[...])
    y0_ref[...] = xn * lax.rsqrt(deg)


def _mid_tc(p_ref, y_ref, degp_ref, o_ref):
    deg = _deg_from_partials(degp_ref[...])
    t = p_ref[0] + p_ref[1] - y_ref[...]
    o_ref[...] = t / deg


def _fin_tc(p_ref, y_ref, degp_ref, o_ref):
    deg = _deg_from_partials(degp_ref[...])
    t = p_ref[0] + p_ref[1] - y_ref[...]
    o_ref[...] = (t * lax.rsqrt(deg))[:_N]


_prep_call = pl.pallas_call(
    _prep_tc, out_shape=jax.ShapeDtypeStruct((_NY, _D), jnp.float32))
_mid_call = pl.pallas_call(
    _mid_tc, out_shape=jax.ShapeDtypeStruct((_NY, _D), jnp.float32))
_fin_call = pl.pallas_call(
    _fin_tc, out_shape=jax.ShapeDtypeStruct((_N, _D), jnp.float32))


@jax.jit
def kernel(x, edge_index):
    row = edge_index[0]
    col = edge_index[1]
    npad_e = _EPAD - _E
    row_p = jnp.concatenate([row, jnp.full((npad_e,), _N, jnp.int32)])
    col_p = jnp.concatenate([col, jnp.zeros((npad_e,), jnp.int32)])
    row_p = row_p.reshape(256, 1280).T.reshape(-1)
    col_p = col_p.reshape(256, 1280).T.reshape(-1)
    row_g = row_p.reshape(-1, _G, 128)
    col_g = col_p.reshape(-1, _G, 128)
    idx_hop = jnp.stack([row_g, col_g], axis=2).reshape(-1, 2 * _G, 128)

    ones = jnp.ones((128, _D), jnp.float32)
    zeros = jnp.zeros((_TSY, _D), jnp.float32)

    degp = _deg_call()(row_g, ones, zeros)
    y0 = _prep_call(x, degp)
    p1 = _hop_call()(y0, idx_hop)
    y1 = _mid_call(p1, y0, degp)
    p2 = _hop_call()(y1, idx_hop)
    return _fin_call(p2, y1, degp)

# --- scband reference (transcript-rebuilt; emitter-appended) ---
"""Pipeline reference for scband-ogb-node-data-loader-13477607375118 (READ-ONLY COPY).

The authoritative reference and input builder live on the scoring server;
editing this copy changes nothing except your own understanding.
"""

import jax, jax.numpy as jnp
import numpy as np

N = 10000
D_FEAT = 128
E = 320000
K_HOPS = 2  # aggr=2 in init_kwargs


def setup_inputs(seed: int = 0) -> dict:
    key = jax.random.key(seed)
    k1, k2 = jax.random.split(key)
    x = jax.random.normal(k1, (N, D_FEAT), dtype=jnp.float32)
    edge_index = jax.random.randint(k2, (2, E), 0, N, dtype=jnp.int32)
    return {"x": x, "edge_index": edge_index}


def reference(x, edge_index):
    # Faithful JAX translation of OgbNodeDataLoader's core preprocessing pipeline:
    #   1) normalize_data: per-feature standardization (torch.std is unbiased, ddof=1)
    #   2) build A_hat = A + I (self loops), D = rowsum(A_hat)
    #   3) GCF: x <- (D^-1/2 A_hat D^-1/2) x, applied k=aggr times
    row = edge_index[0]
    col = edge_index[1]

    # --- normalize_data ---
    mean = jnp.mean(x, axis=0)
    std = jnp.std(x, axis=0, ddof=1)
    std = jnp.where(std == 0.0, 1.0, std)
    x = (x - mean) / std

    # --- degree of A + I (row sums; duplicate edges accumulate, matching
    #     torch sparse COO semantics where coalesce() sums duplicate values) ---
    deg = jax.ops.segment_sum(jnp.ones((E,), dtype=jnp.float32), row, num_segments=N) + 1.0
    dinv = jnp.power(deg, -0.5)

    # edge weights of normalized filter D^-1/2 A D^-1/2 (off-diagonal part)
    w = dinv[row] * dinv[col]  # [E]
    # self-loop weight per node: dinv[i] * 1 * dinv[i]
    self_w = dinv * dinv  # [N]

    # --- GCF: k hops of sparse matmul ---
    for _ in range(K_HOPS):
        msg = x[col] * w[:, None]  # gather + scale, [E, D_FEAT]
        agg = jax.ops.segment_sum(msg, row, num_segments=N)  # scatter-add
        x = agg + x * self_w[:, None]
    return x

if __name__ == "__main__":
    import jax
    _d = setup_inputs()
    print(jax.jit(kernel)(*tuple(_d.values())))

</pallas_src>

<mosaic_0001>
#map = affine_map<(d0, d1) -> (0, 0, 0)>
#map1 = affine_map<(d0, d1) -> (0, 0)>
module attributes {stable_mosaic.version = 14 : i64} {
  func.func @_deg_body(%arg0: i32, %arg1: i32, %arg2: memref<1280x2x128xi32, #tpu.memory_space<hbm>>, %arg3: memref<128x128xf32, #tpu.memory_space<hbm>>, %arg4: memref<640x128xf32, #tpu.memory_space<hbm>>, %arg5: memref<2x10240x128xf32, #tpu.memory_space<hbm>>, %arg6: memref<2x128xi32, #tpu.memory_space<vmem>>, %arg7: memref<128x128xf32, #tpu.memory_space<vmem>>, %arg8: memref<10240x128xf32, #tpu.memory_space<vmem_shared>>) attributes {dimension_semantics = [#tpu.dimension_semantics<core_parallel>, #tpu.dimension_semantics<subcore_parallel>], iteration_bounds = array<i64: 2, 16>, scalar_prefetch = 0 : i64, scratch_operands = 3 : i64, tpu.core_type = #tpu.core_type<sc_vector_subcore>, window_params = [{transform_indices = #map}, {transform_indices = #map1}, {transform_indices = #map1}, {transform_indices = #map}]} {
    %mul3A = arith.constant 2 : i32
    %mul3A_0 = arith.muli %arg1, %mul3A : i32
    %add3A = arith.addi %mul3A_0, %arg0 : i32
    "tpu.region"() ({
      %run_scoped3A = tpu.sem_alloc : memref<!tpu.dma_semaphore, #tpu.memory_space<semaphore_mem>>
      tpu.enqueue_dma source(%arg3 : memref<128x128xf32, #tpu.memory_space<hbm>>) target(%arg7 : memref<128x128xf32, #tpu.memory_space<vmem>>) target_semaphore(%run_scoped3A : memref<!tpu.dma_semaphore, #tpu.memory_space<semaphore_mem>>)
      tpu.wait_dma2 semaphore(%run_scoped3A : memref<!tpu.dma_semaphore, #tpu.memory_space<semaphore_mem>>) src(%arg3 : memref<128x128xf32, #tpu.memory_space<hbm>>) dst(%arg7 : memref<128x128xf32, #tpu.memory_space<vmem>>)
      tpu.yield
    }) : () -> ()
    %mul3A_1 = arith.constant 640 : i32
    %mul3A_2 = arith.muli %arg1, %mul3A_1 : i32
    "tpu.region"() ({
      %run_scoped3A = tpu.sem_alloc : memref<!tpu.dma_semaphore, #tpu.memory_space<semaphore_mem>>
      %dma_start3A = arith.constant 0 : i32
      %dma_start3A_13 = tpu.memref_slice %arg8[%mul3A_2, %dma_start3A] : memref<10240x128xf32, #tpu.memory_space<vmem_shared>> -> memref<640x128xf32, #tpu.memory_space<vmem_shared>>
      tpu.enqueue_dma source(%arg4 : memref<640x128xf32, #tpu.memory_space<hbm>>) target(%dma_start3A_13 : memref<640x128xf32, #tpu.memory_space<vmem_shared>>) target_semaphore(%run_scoped3A : memref<!tpu.dma_semaphore, #tpu.memory_space<semaphore_mem>>)
      %dma_wait3A = arith.constant 0 : i32
      %dma_wait3A_14 = tpu.memref_slice %arg8[%mul3A_2, %dma_wait3A] : memref<10240x128xf32, #tpu.memory_space<vmem_shared>> -> memref<640x128xf32, #tpu.memory_space<vmem_shared>>
      tpu.wait_dma2 semaphore(%run_scoped3A : memref<!tpu.dma_semaphore, #tpu.memory_space<semaphore_mem>>) src(%arg4 : memref<640x128xf32, #tpu.memory_space<hbm>>) dst(%dma_wait3A_14 : memref<640x128xf32, #tpu.memory_space<vmem_shared>>)
      tpu.yield
    }) : () -> ()
    %barrier3A = arith.constant 0 : index
    tpu.barrier barrier_id(%barrier3A)
    %scan3A = arith.constant 0 : i32
    %scan3A_3 = arith.constant 0 : i32
    %scan3A_4 = arith.constant 40 : i32
    %scan3A_5 = arith.addi %scan3A_3, %scan3A_4 : i32
    %scan3A_6 = arith.constant 1 : i32
    scf.for %scan3A_13 = %scan3A_3 to %scan3A_5 step %scan3A_6  : i32 {
      %mul3A_14 = arith.constant 40 : i32
      %mul3A_15 = arith.muli %add3A, %mul3A_14 : i32
      %add3A_16 = arith.addi %mul3A_15, %scan3A_13 : i32
      "tpu.region"() ({
        %run_scoped3A_18 = tpu.sem_alloc : memref<!tpu.dma_semaphore, #tpu.memory_space<semaphore_mem>>
        %dma_start3A = arith.constant 0 : i32
        %dma_start3A_19 = arith.constant 0 : i32
        %dma_start3A_20 = tpu.memref_slice %arg2[%add3A_16, %dma_start3A, %dma_start3A_19] : memref<1280x2x128xi32, #tpu.memory_space<hbm>> -> memref<1x2x128xi32, #tpu.memory_space<hbm>>
        %dma_start3A_21 = tpu.memref_squeeze %dma_start3A_20 : memref<1x2x128xi32, #tpu.memory_space<hbm>> -> memref<2x128xi32, #tpu.memory_space<hbm>>
        %dma_start3A_22 = arith.constant 0 : i32
        %dma_start3A_23 = arith.constant 0 : i32
        %dma_start3A_24 = tpu.memref_slice %arg2[%add3A_16, %dma_start3A_22, %dma_start3A_23] : memref<1280x2x128xi32, #tpu.memory_space<hbm>> -> memref<1x2x128xi32, #tpu.memory_space<hbm>>
        %dma_start3A_25 = tpu.memref_squeeze %dma_start3A_24 : memref<1x2x128xi32, #tpu.memory_space<hbm>> -> memref<2x128xi32, #tpu.memory_space<hbm>>
        tpu.enqueue_dma source(%dma_start3A_25 : memref<2x128xi32, #tpu.memory_space<hbm>>) target(%arg6 : memref<2x128xi32, #tpu.memory_space<vmem>>) target_semaphore(%run_scoped3A_18 : memref<!tpu.dma_semaphore, #tpu.memory_space<semaphore_mem>>)
        %dma_wait3A = arith.constant 0 : i32
        %dma_wait3A_26 = arith.constant 0 : i32
        %dma_wait3A_27 = tpu.memref_slice %arg2[%add3A_16, %dma_wait3A, %dma_wait3A_26] : memref<1280x2x128xi32, #tpu.memory_space<hbm>> -> memref<1x2x128xi32, #tpu.memory_space<hbm>>
        %dma_wait3A_28 = tpu.memref_squeeze %dma_wait3A_27 : memref<1x2x128xi32, #tpu.memory_space<hbm>> -> memref<2x128xi32, #tpu.memory_space<hbm>>
        %dma_wait3A_29 = arith.constant 0 : i32
        %dma_wait3A_30 = arith.constant 0 : i32
        %dma_wait3A_31 = tpu.memref_slice %arg2[%add3A_16, %dma_wait3A_29, %dma_wait3A_30] : memref<1280x2x128xi32, #tpu.memory_space<hbm>> -> memref<1x2x128xi32, #tpu.memory_space<hbm>>
        %dma_wait3A_32 = tpu.memref_squeeze %dma_wait3A_31 : memref<1x2x128xi32, #tpu.memory_space<hbm>> -> memref<2x128xi32, #tpu.memory_space<hbm>>
        tpu.wait_dma2 semaphore(%run_scoped3A_18 : memref<!tpu.dma_semaphore, #tpu.memory_space<semaphore_mem>>) src(%dma_wait3A_32 : memref<2x128xi32, #tpu.memory_space<hbm>>) dst(%arg6 : memref<2x128xi32, #tpu.memory_space<vmem>>)
        tpu.yield
      }) : () -> ()
      %run_scoped3A = arith.constant 0 : i32
      "tpu.region"() ({
        %run_scoped3A_18 = tpu.sem_alloc : memref<!tpu.dma_semaphore, #tpu.memory_space<semaphore_mem>>
        %dma_start3A = arith.constant 0 : i32
        %dma_start3A_19 = tpu.memref_slice %arg6[%run_scoped3A, %dma_start3A] : memref<2x128xi32, #tpu.memory_space<vmem>> -> memref<1x128xi32, #tpu.memory_space<vmem>>
        %dma_start3A_20 = tpu.memref_squeeze %dma_start3A_19 : memref<1x128xi32, #tpu.memory_space<vmem>> -> memref<128xi32, #tpu.memory_space<vmem>>
        %dma_start3A_21 = arith.constant 0 : i32
        %dma_start3A_22 = arith.constant 0 : i32
        %dma_start3A_23 = tpu.memref_slice %arg8[%dma_start3A_21, %dma_start3A_22] : memref<10240x128xf32, #tpu.memory_space<vmem_shared>> -> memref<10240x128xf32, #tpu.memory_space<vmem_shared>>
        tpu.enqueue_indirect_dma source(%arg7 : memref<128x128xf32, #tpu.memory_space<vmem>>) target(%dma_start3A_23 : memref<10240x128xf32, #tpu.memory_space<vmem_shared>>) offsets(%dma_start3A_20 : memref<128xi32, #tpu.memory_space<vmem>>) semaphore(%run_scoped3A_18 : memref<!tpu.dma_semaphore, #tpu.memory_space<semaphore_mem>>) {add = true}
        %dma_wait3A = arith.constant 0 : i32
        %dma_wait3A_24 = tpu.memref_slice %arg6[%run_scoped3A, %dma_wait3A] : memref<2x128xi32, #tpu.memory_space<vmem>> -> memref<1x128xi32, #tpu.memory_space<vmem>>
        %dma_wait3A_25 = tpu.memref_squeeze %dma_wait3A_24 : memref<1x128xi32, #tpu.memory_space<vmem>> -> memref<128xi32, #tpu.memory_space<vmem>>
        %dma_wait3A_26 = arith.constant 0 : i32
        %dma_wait3A_27 = arith.constant 0 : i32
        %dma_wait3A_28 = tpu.memref_slice %arg8[%dma_wait3A_26, %dma_wait3A_27] : memref<10240x128xf32, #tpu.memory_space<vmem_shared>> -> memref<10240x128xf32, #tpu.memory_space<vmem_shared>>
        tpu.wait_indirect_dma semaphore(%run_scoped3A_18 : memref<!tpu.dma_semaphore, #tpu.memory_space<semaphore_mem>>) src(%arg7 : memref<128x128xf32, #tpu.memory_space<vmem>>) dst(%dma_wait3A_28 : memref<10240x128xf32, #tpu.memory_space<vmem_shared>>)
        tpu.yield
      }) : () -> ()
      %run_scoped3A_17 = arith.constant 1 : i32
      "tpu.region"() ({
        %run_scoped3A_18 = tpu.sem_alloc : memref<!tpu.dma_semaphore, #tpu.memory_space<semaphore_mem>>
        %dma_start3A = arith.constant 0 : i32
        %dma_start3A_19 = tpu.memref_slice %arg6[%run_scoped3A_17, %dma_start3A] : memref<2x128xi32, #tpu.memory_space<vmem>> -> memref<1x128xi32, #tpu.memory_space<vmem>>
        %dma_start3A_20 = tpu.memref_squeeze %dma_start3A_19 : memref<1x128xi32, #tpu.memory_space<vmem>> -> memref<128xi32, #tpu.memory_space<vmem>>
        %dma_start3A_21 = arith.constant 0 : i32
        %dma_start3A_22 = arith.constant 0 : i32
        %dma_start3A_23 = tpu.memref_slice %arg8[%dma_start3A_21, %dma_start3A_22] : memref<10240x128xf32, #tpu.memory_space<vmem_shared>> -> memref<10240x128xf32, #tpu.memory_space<vmem_shared>>
        tpu.enqueue_indirect_dma source(%arg7 : memref<128x128xf32, #tpu.memory_space<vmem>>) target(%dma_start3A_23 : memref<10240x128xf32, #tpu.memory_space<vmem_shared>>) offsets(%dma_start3A_20 : memref<128xi32, #tpu.memory_space<vmem>>) semaphore(%run_scoped3A_18 : memref<!tpu.dma_semaphore, #tpu.memory_space<semaphore_mem>>) {add = true}
        %dma_wait3A = arith.constant 0 : i32
        %dma_wait3A_24 = tpu.memref_slice %arg6[%run_scoped3A_17, %dma_wait3A] : memref<2x128xi32, #tpu.memory_space<vmem>> -> memref<1x128xi32, #tpu.memory_space<vmem>>
        %dma_wait3A_25 = tpu.memref_squeeze %dma_wait3A_24 : memref<1x128xi32, #tpu.memory_space<vmem>> -> memref<128xi32, #tpu.memory_space<vmem>>
        %dma_wait3A_26 = arith.constant 0 : i32
        %dma_wait3A_27 = arith.constant 0 : i32
        %dma_wait3A_28 = tpu.memref_slice %arg8[%dma_wait3A_26, %dma_wait3A_27] : memref<10240x128xf32, #tpu.memory_space<vmem_shared>> -> memref<10240x128xf32, #tpu.memory_space<vmem_shared>>
        tpu.wait_indirect_dma semaphore(%run_scoped3A_18 : memref<!tpu.dma_semaphore, #tpu.memory_space<semaphore_mem>>) src(%arg7 : memref<128x128xf32, #tpu.memory_space<vmem>>) dst(%dma_wait3A_28 : memref<10240x128xf32, #tpu.memory_space<vmem_shared>>)
        tpu.yield
      }) : () -> ()
    }
    %scan3A_7 = arith.constant 40 : i32
    %barrier3A_8 = arith.constant 0 : index
    tpu.barrier barrier_id(%barrier3A_8)
    %mul3A_9 = arith.constant 640 : i32
    %mul3A_10 = arith.muli %arg1, %mul3A_9 : i32
    %mul3A_11 = arith.constant 640 : i32
    %mul3A_12 = arith.muli %arg1, %mul3A_11 : i32
    "tpu.region"() ({
      %run_scoped3A = tpu.sem_alloc : memref<!tpu.dma_semaphore, #tpu.memory_space<semaphore_mem>>
      %dma_start3A = arith.constant 0 : i32
      %dma_start3A_13 = tpu.memref_slice %arg5[%arg0, %mul3A_12, %dma_start3A] : memref<2x10240x128xf32, #tpu.memory_space<hbm>> -> memref<1x640x128xf32, #tpu.memory_space<hbm>>
      %dma_start3A_14 = tpu.memref_squeeze %dma_start3A_13 : memref<1x640x128xf32, #tpu.memory_space<hbm>> -> memref<640x128xf32, #tpu.memory_space<hbm>>
      %dma_start3A_15 = arith.constant 0 : i32
      %dma_start3A_16 = tpu.memref_slice %arg8[%mul3A_10, %dma_start3A_15] : memref<10240x128xf32, #tpu.memory_space<vmem_shared>> -> memref<640x128xf32, #tpu.memory_space<vmem_shared>>
      tpu.enqueue_dma source(%dma_start3A_16 : memref<640x128xf32, #tpu.memory_space<vmem_shared>>) target(%dma_start3A_14 : memref<640x128xf32, #tpu.memory_space<hbm>>) target_semaphore(%run_scoped3A : memref<!tpu.dma_semaphore, #tpu.memory_space<semaphore_mem>>)
      %dma_wait3A = arith.constant 0 : i32
      %dma_wait3A_17 = tpu.memref_slice %arg5[%arg0, %mul3A_12, %dma_wait3A] : memref<2x10240x128xf32, #tpu.memory_space<hbm>> -> memref<1x640x128xf32, #tpu.memory_space<hbm>>
      %dma_wait3A_18 = tpu.memref_squeeze %dma_wait3A_17 : memref<1x640x128xf32, #tpu.memory_space<hbm>> -> memref<640x128xf32, #tpu.memory_space<hbm>>
      %dma_wait3A_19 = arith.constant 0 : i32
      %dma_wait3A_20 = tpu.memref_slice %arg8[%mul3A_10, %dma_wait3A_19] : memref<10240x128xf32, #tpu.memory_space<vmem_shared>> -> memref<640x128xf32, #tpu.memory_space<vmem_shared>>
      tpu.wait_dma2 semaphore(%run_scoped3A : memref<!tpu.dma_semaphore, #tpu.memory_space<semaphore_mem>>) src(%dma_wait3A_20 : memref<640x128xf32, #tpu.memory_space<vmem_shared>>) dst(%dma_wait3A_18 : memref<640x128xf32, #tpu.memory_space<hbm>>)
      tpu.yield
    }) : () -> ()
    return
  }
}

#map = affine_map<(d0, d1) -> (0, 0)>
#map1 = affine_map<(d0, d1) -> (0, 0, 0)>
module attributes {stable_mosaic.version = 14 : i64} {
  func.func @_hop_body(%arg0: i32, %arg1: i32, %arg2: memref<10112x128xf32, #tpu.memory_space<hbm>>, %arg3: memref<1280x4x128xi32, #tpu.memory_space<hbm>>, %arg4: memref<2x10112x128xf32, #tpu.memory_space<hbm>>, %arg5: memref<4x128xi32, #tpu.memory_space<vmem>>, %arg6: memref<2x128x128xf32, #tpu.memory_space<vmem>>, %arg7: memref<10112x128xf32, #tpu.memory_space<vmem_shared>>, %arg8: memref<!tpu.dma_semaphore, #tpu.memory_space<semaphore_mem>>, %arg9: memref<!tpu.dma_semaphore, #tpu.memory_space<semaphore_mem>>) attributes {dimension_semantics = [#tpu.dimension_semantics<core_parallel>, #tpu.dimension_semantics<subcore_parallel>], iteration_bounds = array<i64: 2, 16>, scalar_prefetch = 0 : i64, scratch_operands = 5 : i64, tpu.core_type = #tpu.core_type<sc_vector_subcore>, window_params = [{transform_indices = #map}, {transform_indices = #map1}, {transform_indices = #map1}]} {
    %mul3A = arith.constant 2 : i32
    %mul3A_0 = arith.muli %arg1, %mul3A : i32
    %add3A = arith.addi %mul3A_0, %arg0 : i32
    %mul3A_1 = arith.constant 632 : i32
    %mul3A_2 = arith.muli %arg1, %mul3A_1 : i32
    %mul3A_3 = arith.constant 632 : i32
    %mul3A_4 = arith.muli %arg1, %mul3A_3 : i32
    "tpu.region"() ({
      %run_scoped3A = tpu.sem_alloc : memref<!tpu.dma_semaphore, #tpu.memory_space<semaphore_mem>>
      %dma_start3A = arith.constant 0 : i32
      %dma_start3A_15 = tpu.memref_slice %arg7[%mul3A_4, %dma_start3A] : memref<10112x128xf32, #tpu.memory_space<vmem_shared>> -> memref<632x128xf32, #tpu.memory_space<vmem_shared>>
      %dma_start3A_16 = arith.constant 0 : i32
      %dma_start3A_17 = tpu.memref_slice %arg2[%mul3A_2, %dma_start3A_16] : memref<10112x128xf32, #tpu.memory_space<hbm>> -> memref<632x128xf32, #tpu.memory_space<hbm>>
      tpu.enqueue_dma source(%dma_start3A_17 : memref<632x128xf32, #tpu.memory_space<hbm>>) target(%dma_start3A_15 : memref<632x128xf32, #tpu.memory_space<vmem_shared>>) target_semaphore(%run_scoped3A : memref<!tpu.dma_semaphore, #tpu.memory_space<semaphore_mem>>)
      %dma_wait3A = arith.constant 0 : i32
      %dma_wait3A_18 = tpu.memref_slice %arg7[%mul3A_4, %dma_wait3A] : memref<10112x128xf32, #tpu.memory_space<vmem_shared>> -> memref<632x128xf32, #tpu.memory_space<vmem_shared>>
      %dma_wait3A_19 = arith.constant 0 : i32
      %dma_wait3A_20 = tpu.memref_slice %arg2[%mul3A_2, %dma_wait3A_19] : memref<10112x128xf32, #tpu.memory_space<hbm>> -> memref<632x128xf32, #tpu.memory_space<hbm>>
      tpu.wait_dma2 semaphore(%run_scoped3A : memref<!tpu.dma_semaphore, #tpu.memory_space<semaphore_mem>>) src(%dma_wait3A_20 : memref<632x128xf32, #tpu.memory_space<hbm>>) dst(%dma_wait3A_18 : memref<632x128xf32, #tpu.memory_space<vmem_shared>>)
      tpu.yield
    }) : () -> ()
    %barrier3A = arith.constant 0 : index
    tpu.barrier barrier_id(%barrier3A)
    %scan3A = arith.constant 0 : i32
    %scan3A_5 = arith.constant 0 : i32
    %scan3A_6 = arith.constant 40 : i32
    %scan3A_7 = arith.addi %scan3A_5, %scan3A_6 : i32
    %scan3A_8 = arith.constant 1 : i32
    scf.for %scan3A_15 = %scan3A_5 to %scan3A_7 step %scan3A_8  : i32 {
      %mul3A_16 = arith.constant 40 : i32
      %mul3A_17 = arith.muli %add3A, %mul3A_16 : i32
      %add3A_18 = arith.addi %mul3A_17, %scan3A_15 : i32
      "tpu.region"() ({
        %run_scoped3A = tpu.sem_alloc : memref<!tpu.dma_semaphore, #tpu.memory_space<semaphore_mem>>
        %dma_start3A_113 = arith.constant 0 : i32
        %dma_start3A_114 = arith.constant 0 : i32
        %dma_start3A_115 = tpu.memref_slice %arg3[%add3A_18, %dma_start3A_113, %dma_start3A_114] : memref<1280x4x128xi32, #tpu.memory_space<hbm>> -> memref<1x4x128xi32, #tpu.memory_space<hbm>>
        %dma_start3A_116 = tpu.memref_squeeze %dma_start3A_115 : memref<1x4x128xi32, #tpu.memory_space<hbm>> -> memref<4x128xi32, #tpu.memory_space<hbm>>
        %dma_start3A_117 = arith.constant 0 : i32
        %dma_start3A_118 = arith.constant 0 : i32
        %dma_start3A_119 = tpu.memref_slice %arg3[%add3A_18, %dma_start3A_117, %dma_start3A_118] : memref<1280x4x128xi32, #tpu.memory_space<hbm>> -> memref<1x4x128xi32, #tpu.memory_space<hbm>>
        %dma_start3A_120 = tpu.memref_squeeze %dma_start3A_119 : memref<1x4x128xi32, #tpu.memory_space<hbm>> -> memref<4x128xi32, #tpu.memory_space<hbm>>
        tpu.enqueue_dma source(%dma_start3A_120 : memref<4x128xi32, #tpu.memory_space<hbm>>) target(%arg5 : memref<4x128xi32, #tpu.memory_space<vmem>>) target_semaphore(%run_scoped3A : memref<!tpu.dma_semaphore, #tpu.memory_space<semaphore_mem>>)
        %dma_wait3A_121 = arith.constant 0 : i32
        %dma_wait3A_122 = arith.constant 0 : i32
        %dma_wait3A_123 = tpu.memref_slice %arg3[%add3A_18, %dma_wait3A_121, %dma_wait3A_122] : memref<1280x4x128xi32, #tpu.memory_space<hbm>> -> memref<1x4x128xi32, #tpu.memory_space<hbm>>
        %dma_wait3A_124 = tpu.memref_squeeze %dma_wait3A_123 : memref<1x4x128xi32, #tpu.memory_space<hbm>> -> memref<4x128xi32, #tpu.memory_space<hbm>>
        %dma_wait3A_125 = arith.constant 0 : i32
        %dma_wait3A_126 = arith.constant 0 : i32
        %dma_wait3A_127 = tpu.memref_slice %arg3[%add3A_18, %dma_wait3A_125, %dma_wait3A_126] : memref<1280x4x128xi32, #tpu.memory_space<hbm>> -> memref<1x4x128xi32, #tpu.memory_space<hbm>>
        %dma_wait3A_128 = tpu.memref_squeeze %dma_wait3A_127 : memref<1x4x128xi32, #tpu.memory_space<hbm>> -> memref<4x128xi32, #tpu.memory_space<hbm>>
        tpu.wait_dma2 semaphore(%run_scoped3A : memref<!tpu.dma_semaphore, #tpu.memory_space<semaphore_mem>>) src(%dma_wait3A_128 : memref<4x128xi32, #tpu.memory_space<hbm>>) dst(%arg5 : memref<4x128xi32, #tpu.memory_space<vmem>>)
        tpu.yield
      }) : () -> ()
      %dma_start3A = arith.constant 1 : i32
      %dma_start3A_19 = arith.constant 0 : i32
      %dma_start3A_20 = arith.constant 0 : i32
      %dma_start3A_21 = arith.constant 0 : i32
      %dma_start3A_22 = tpu.memref_slice %arg6[%dma_start3A_19, %dma_start3A_20, %dma_start3A_21] : memref<2x128x128xf32, #tpu.memory_space<vmem>> -> memref<1x128x128xf32, #tpu.memory_space<vmem>>
      %dma_start3A_23 = tpu.memref_squeeze %dma_start3A_22 : memref<1x128x128xf32, #tpu.memory_space<vmem>> -> memref<128x128xf32, #tpu.memory_space<vmem>>
      %dma_start3A_24 = arith.constant 0 : i32
      %dma_start3A_25 = tpu.memref_slice %arg5[%dma_start3A, %dma_start3A_24] : memref<4x128xi32, #tpu.memory_space<vmem>> -> memref<1x128xi32, #tpu.memory_space<vmem>>
      %dma_start3A_26 = tpu.memref_squeeze %dma_start3A_25 : memref<1x128xi32, #tpu.memory_space<vmem>> -> memref<128xi32, #tpu.memory_space<vmem>>
      %dma_start3A_27 = arith.constant 0 : i32
      %dma_start3A_28 = arith.constant 0 : i32
      %dma_start3A_29 = tpu.memref_slice %arg2[%dma_start3A_27, %dma_start3A_28] : memref<10112x128xf32, #tpu.memory_space<hbm>> -> memref<10112x128xf32, #tpu.memory_space<hbm>>
      tpu.enqueue_indirect_dma source(%dma_start3A_29 : memref<10112x128xf32, #tpu.memory_space<hbm>>) target(%dma_start3A_23 : memref<128x128xf32, #tpu.memory_space<vmem>>) offsets(%dma_start3A_26 : memref<128xi32, #tpu.memory_space<vmem>>) semaphore(%arg8 : memref<!tpu.dma_semaphore, #tpu.memory_space<semaphore_mem>>)
      %dma_start3A_30 = arith.constant 3 : i32
      %dma_start3A_31 = arith.constant 1 : i32
      %dma_start3A_32 = arith.constant 0 : i32
      %dma_start3A_33 = arith.constant 0 : i32
      %dma_start3A_34 = tpu.memref_slice %arg6[%dma_start3A_31, %dma_start3A_32, %dma_start3A_33] : memref<2x128x128xf32, #tpu.memory_space<vmem>> -> memref<1x128x128xf32, #tpu.memory_space<vmem>>
      %dma_start3A_35 = tpu.memref_squeeze %dma_start3A_34 : memref<1x128x128xf32, #tpu.memory_space<vmem>> -> memref<128x128xf32, #tpu.memory_space<vmem>>
      %dma_start3A_36 = arith.constant 0 : i32
      %dma_start3A_37 = tpu.memref_slice %arg5[%dma_start3A_30, %dma_start3A_36] : memref<4x128xi32, #tpu.memory_space<vmem>> -> memref<1x128xi32, #tpu.memory_space<vmem>>
      %dma_start3A_38 = tpu.memref_squeeze %dma_start3A_37 : memref<1x128xi32, #tpu.memory_space<vmem>> -> memref<128xi32, #tpu.memory_space<vmem>>
      %dma_start3A_39 = arith.constant 0 : i32
      %dma_start3A_40 = arith.constant 0 : i32
      %dma_start3A_41 = tpu.memref_slice %arg2[%dma_start3A_39, %dma_start3A_40] : memref<10112x128xf32, #tpu.memory_space<hbm>> -> memref<10112x128xf32, #tpu.memory_space<hbm>>
      tpu.enqueue_indirect_dma source(%dma_start3A_41 : memref<10112x128xf32, #tpu.memory_space<hbm>>) target(%dma_start3A_35 : memref<128x128xf32, #tpu.memory_space<vmem>>) offsets(%dma_start3A_38 : memref<128xi32, #tpu.memory_space<vmem>>) semaphore(%arg8 : memref<!tpu.dma_semaphore, #tpu.memory_space<semaphore_mem>>)
      %dma_wait3A = arith.constant 1 : i32
      %dma_wait3A_42 = arith.constant 0 : i32
      %dma_wait3A_43 = arith.constant 0 : i32
      %dma_wait3A_44 = arith.constant 0 : i32
      %dma_wait3A_45 = tpu.memref_slice %arg6[%dma_wait3A_42, %dma_wait3A_43, %dma_wait3A_44] : memref<2x128x128xf32, #tpu.memory_space<vmem>> -> memref<1x128x128xf32, #tpu.memory_space<vmem>>
      %dma_wait3A_46 = tpu.memref_squeeze %dma_wait3A_45 : memref<1x128x128xf32, #tpu.memory_space<vmem>> -> memref<128x128xf32, #tpu.memory_space<vmem>>
      %dma_wait3A_47 = arith.constant 0 : i32
      %dma_wait3A_48 = tpu.memref_slice %arg5[%dma_wait3A, %dma_wait3A_47] : memref<4x128xi32, #tpu.memory_space<vmem>> -> memref<1x128xi32, #tpu.memory_space<vmem>>
      %dma_wait3A_49 = tpu.memref_squeeze %dma_wait3A_48 : memref<1x128xi32, #tpu.memory_space<vmem>> -> memref<128xi32, #tpu.memory_space<vmem>>
      %dma_wait3A_50 = arith.constant 0 : i32
      %dma_wait3A_51 = arith.constant 0 : i32
      %dma_wait3A_52 = tpu.memref_slice %arg2[%dma_wait3A_50, %dma_wait3A_51] : memref<10112x128xf32, #tpu.memory_space<hbm>> -> memref<10112x128xf32, #tpu.memory_space<hbm>>
      tpu.wait_indirect_dma semaphore(%arg8 : memref<!tpu.dma_semaphore, #tpu.memory_space<semaphore_mem>>) src(%dma_wait3A_52 : memref<10112x128xf32, #tpu.memory_space<hbm>>) dst(%dma_wait3A_46 : memref<128x128xf32, #tpu.memory_space<vmem>>)
      %dma_start3A_53 = arith.constant 0 : i32
      %dma_start3A_54 = arith.constant 0 : i32
      %dma_start3A_55 = arith.constant 0 : i32
      %dma_start3A_56 = arith.constant 0 : i32
      %dma_start3A_57 = tpu.memref_slice %arg6[%dma_start3A_53, %dma_start3A_55, %dma_start3A_56] : memref<2x128x128xf32, #tpu.memory_space<vmem>> -> memref<1x128x128xf32, #tpu.memory_space<vmem>>
      %dma_start3A_58 = tpu.memref_squeeze %dma_start3A_57 : memref<1x128x128xf32, #tpu.memory_space<vmem>> -> memref<128x128xf32, #tpu.memory_space<vmem>>
      %dma_start3A_59 = arith.constant 0 : i32
      %dma_start3A_60 = tpu.memref_slice %arg5[%dma_start3A_54, %dma_start3A_59] : memref<4x128xi32, #tpu.memory_space<vmem>> -> memref<1x128xi32, #tpu.memory_space<vmem>>
      %dma_start3A_61 = tpu.memref_squeeze %dma_start3A_60 : memref<1x128xi32, #tpu.memory_space<vmem>> -> memref<128xi32, #tpu.memory_space<vmem>>
      %dma_start3A_62 = arith.constant 0 : i32
      %dma_start3A_63 = arith.constant 0 : i32
      %dma_start3A_64 = tpu.memref_slice %arg7[%dma_start3A_62, %dma_start3A_63] : memref<10112x128xf32, #tpu.memory_space<vmem_shared>> -> memref<10112x128xf32, #tpu.memory_space<vmem_shared>>
      tpu.enqueue_indirect_dma source(%dma_start3A_58 : memref<128x128xf32, #tpu.memory_space<vmem>>) target(%dma_start3A_64 : memref<10112x128xf32, #tpu.memory_space<vmem_shared>>) offsets(%dma_start3A_61 : memref<128xi32, #tpu.memory_space<vmem>>) semaphore(%arg9 : memref<!tpu.dma_semaphore, #tpu.memory_space<semaphore_mem>>) {add = true}
      %dma_wait3A_65 = arith.constant 3 : i32
      %dma_wait3A_66 = arith.constant 1 : i32
      %dma_wait3A_67 = arith.constant 0 : i32
      %dma_wait3A_68 = arith.constant 0 : i32
      %dma_wait3A_69 = tpu.memref_slice %arg6[%dma_wait3A_66, %dma_wait3A_67, %dma_wait3A_68] : memref<2x128x128xf32, #tpu.memory_space<vmem>> -> memref<1x128x128xf32, #tpu.memory_space<vmem>>
      %dma_wait3A_70 = tpu.memref_squeeze %dma_wait3A_69 : memref<1x128x128xf32, #tpu.memory_space<vmem>> -> memref<128x128xf32, #tpu.memory_space<vmem>>
      %dma_wait3A_71 = arith.constant 0 : i32
      %dma_wait3A_72 = tpu.memref_slice %arg5[%dma_wait3A_65, %dma_wait3A_71] : memref<4x128xi32, #tpu.memory_space<vmem>> -> memref<1x128xi32, #tpu.memory_space<vmem>>
      %dma_wait3A_73 = tpu.memref_squeeze %dma_wait3A_72 : memref<1x128xi32, #tpu.memory_space<vmem>> -> memref<128xi32, #tpu.memory_space<vmem>>
      %dma_wait3A_74 = arith.constant 0 : i32
      %dma_wait3A_75 = arith.constant 0 : i32
      %dma_wait3A_76 = tpu.memref_slice %arg2[%dma_wait3A_74, %dma_wait3A_75] : memref<10112x128xf32, #tpu.memory_space<hbm>> -> memref<10112x128xf32, #tpu.memory_space<hbm>>
      tpu.wait_indirect_dma semaphore(%arg8 : memref<!tpu.dma_semaphore, #tpu.memory_space<semaphore_mem>>) src(%dma_wait3A_76 : memref<10112x128xf32, #tpu.memory_space<hbm>>) dst(%dma_wait3A_70 : memref<128x128xf32, #tpu.memory_space<vmem>>)
      %dma_start3A_77 = arith.constant 1 : i32
      %dma_start3A_78 = arith.constant 2 : i32
      %dma_start3A_79 = arith.constant 0 : i32
      %dma_start3A_80 = arith.constant 0 : i32
      %dma_start3A_81 = tpu.memref_slice %arg6[%dma_start3A_77, %dma_start3A_79, %dma_start3A_80] : memref<2x128x128xf32, #tpu.memory_space<vmem>> -> memref<1x128x128xf32, #tpu.memory_space<vmem>>
      %dma_start3A_82 = tpu.memref_squeeze %dma_start3A_81 : memref<1x128x128xf32, #tpu.memory_space<vmem>> -> memref<128x128xf32, #tpu.memory_space<vmem>>
      %dma_start3A_83 = arith.constant 0 : i32
      %dma_start3A_84 = tpu.memref_slice %arg5[%dma_start3A_78, %dma_start3A_83] : memref<4x128xi32, #tpu.memory_space<vmem>> -> memref<1x128xi32, #tpu.memory_space<vmem>>
      %dma_start3A_85 = tpu.memref_squeeze %dma_start3A_84 : memref<1x128xi32, #tpu.memory_space<vmem>> -> memref<128xi32, #tpu.memory_space<vmem>>
      %dma_start3A_86 = arith.constant 0 : i32
      %dma_start3A_87 = arith.constant 0 : i32
      %dma_start3A_88 = tpu.memref_slice %arg7[%dma_start3A_86, %dma_start3A_87] : memref<10112x128xf32, #tpu.memory_space<vmem_shared>> -> memref<10112x128xf32, #tpu.memory_space<vmem_shared>>
      tpu.enqueue_indirect_dma source(%dma_start3A_82 : memref<128x128xf32, #tpu.memory_space<vmem>>) target(%dma_start3A_88 : memref<10112x128xf32, #tpu.memory_space<vmem_shared>>) offsets(%dma_start3A_85 : memref<128xi32, #tpu.memory_space<vmem>>) semaphore(%arg9 : memref<!tpu.dma_semaphore, #tpu.memory_space<semaphore_mem>>) {add = true}
      %dma_wait3A_89 = arith.constant 0 : i32
      %dma_wait3A_90 = arith.constant 0 : i32
      %dma_wait3A_91 = arith.constant 0 : i32
      %dma_wait3A_92 = arith.constant 0 : i32
      %dma_wait3A_93 = tpu.memref_slice %arg6[%dma_wait3A_89, %dma_wait3A_91, %dma_wait3A_92] : memref<2x128x128xf32, #tpu.memory_space<vmem>> -> memref<1x128x128xf32, #tpu.memory_space<vmem>>
      %dma_wait3A_94 = tpu.memref_squeeze %dma_wait3A_93 : memref<1x128x128xf32, #tpu.memory_space<vmem>> -> memref<128x128xf32, #tpu.memory_space<vmem>>
      %dma_wait3A_95 = arith.constant 0 : i32
      %dma_wait3A_96 = tpu.memref_slice %arg5[%dma_wait3A_90, %dma_wait3A_95] : memref<4x128xi32, #tpu.memory_space<vmem>> -> memref<1x128xi32, #tpu.memory_space<vmem>>
      %dma_wait3A_97 = tpu.memref_squeeze %dma_wait3A_96 : memref<1x128xi32, #tpu.memory_space<vmem>> -> memref<128xi32, #tpu.memory_space<vmem>>
      %dma_wait3A_98 = arith.constant 0 : i32
      %dma_wait3A_99 = arith.constant 0 : i32
      %dma_wait3A_100 = tpu.memref_slice %arg7[%dma_wait3A_98, %dma_wait3A_99] : memref<10112x128xf32, #tpu.memory_space<vmem_shared>> -> memref<10112x128xf32, #tpu.memory_space<vmem_shared>>
      tpu.wait_indirect_dma semaphore(%arg9 : memref<!tpu.dma_semaphore, #tpu.memory_space<semaphore_mem>>) src(%dma_wait3A_94 : memref<128x128xf32, #tpu.memory_space<vmem>>) dst(%dma_wait3A_100 : memref<10112x128xf32, #tpu.memory_space<vmem_shared>>)
      %dma_wait3A_101 = arith.constant 1 : i32
      %dma_wait3A_102 = arith.constant 2 : i32
      %dma_wait3A_103 = arith.constant 0 : i32
      %dma_wait3A_104 = arith.constant 0 : i32
      %dma_wait3A_105 = tpu.memref_slice %arg6[%dma_wait3A_101, %dma_wait3A_103, %dma_wait3A_104] : memref<2x128x128xf32, #tpu.memory_space<vmem>> -> memref<1x128x128xf32, #tpu.memory_space<vmem>>
      %dma_wait3A_106 = tpu.memref_squeeze %dma_wait3A_105 : memref<1x128x128xf32, #tpu.memory_space<vmem>> -> memref<128x128xf32, #tpu.memory_space<vmem>>
      %dma_wait3A_107 = arith.constant 0 : i32
      %dma_wait3A_108 = tpu.memref_slice %arg5[%dma_wait3A_102, %dma_wait3A_107] : memref<4x128xi32, #tpu.memory_space<vmem>> -> memref<1x128xi32, #tpu.memory_space<vmem>>
      %dma_wait3A_109 = tpu.memref_squeeze %dma_wait3A_108 : memref<1x128xi32, #tpu.memory_space<vmem>> -> memref<128xi32, #tpu.memory_space<vmem>>
      %dma_wait3A_110 = arith.constant 0 : i32
      %dma_wait3A_111 = arith.constant 0 : i32
      %dma_wait3A_112 = tpu.memref_slice %arg7[%dma_wait3A_110, %dma_wait3A_111] : memref<10112x128xf32, #tpu.memory_space<vmem_shared>> -> memref<10112x128xf32, #tpu.memory_space<vmem_shared>>
      tpu.wait_indirect_dma semaphore(%arg9 : memref<!tpu.dma_semaphore, #tpu.memory_space<semaphore_mem>>) src(%dma_wait3A_106 : memref<128x128xf32, #tpu.memory_space<vmem>>) dst(%dma_wait3A_112 : memref<10112x128xf32, #tpu.memory_space<vmem_shared>>)
    }
    %scan3A_9 = arith.constant 40 : i32
    %barrier3A_10 = arith.constant 0 : index
    tpu.barrier barrier_id(%barrier3A_10)
    %mul3A_11 = arith.constant 632 : i32
    %mul3A_12 = arith.muli %arg1, %mul3A_11 : i32
    %mul3A_13 = arith.constant 632 : i32
    %mul3A_14 = arith.muli %arg1, %mul3A_13 : i32
    "tpu.region"() ({
      %run_scoped3A = tpu.sem_alloc : memref<!tpu.dma_semaphore, #tpu.memory_space<semaphore_mem>>
      %dma_start3A = arith.constant 0 : i32
      %dma_start3A_15 = tpu.memref_slice %arg4[%arg0, %mul3A_14, %dma_start3A] : memref<2x10112x128xf32, #tpu.memory_space<hbm>> -> memref<1x632x128xf32, #tpu.memory_space<hbm>>
      %dma_start3A_16 = tpu.memref_squeeze %dma_start3A_15 : memref<1x632x128xf32, #tpu.memory_space<hbm>> -> memref<632x128xf32, #tpu.memory_space<hbm>>
      %dma_start3A_17 = arith.constant 0 : i32
      %dma_start3A_18 = tpu.memref_slice %arg7[%mul3A_12, %dma_start3A_17] : memref<10112x128xf32, #tpu.memory_space<vmem_shared>> -> memref<632x128xf32, #tpu.memory_space<vmem_shared>>
      tpu.enqueue_dma source(%dma_start3A_18 : memref<632x128xf32, #tpu.memory_space<vmem_shared>>) target(%dma_start3A_16 : memref<632x128xf32, #tpu.memory_space<hbm>>) target_semaphore(%run_scoped3A : memref<!tpu.dma_semaphore, #tpu.memory_space<semaphore_mem>>)
      %dma_wait3A = arith.constant 0 : i32
      %dma_wait3A_19 = tpu.memref_slice %arg4[%arg0, %mul3A_14, %dma_wait3A] : memref<2x10112x128xf32, #tpu.memory_space<hbm>> -> memref<1x632x128xf32, #tpu.memory_space<hbm>>
      %dma_wait3A_20 = tpu.memref_squeeze %dma_wait3A_19 : memref<1x632x128xf32, #tpu.memory_space<hbm>> -> memref<632x128xf32, #tpu.memory_space<hbm>>
      %dma_wait3A_21 = arith.constant 0 : i32
      %dma_wait3A_22 = tpu.memref_slice %arg7[%mul3A_12, %dma_wait3A_21] : memref<10112x128xf32, #tpu.memory_space<vmem_shared>> -> memref<632x128xf32, #tpu.memory_space<vmem_shared>>
      tpu.wait_dma2 semaphore(%run_scoped3A : memref<!tpu.dma_semaphore, #tpu.memory_space<semaphore_mem>>) src(%dma_wait3A_22 : memref<632x128xf32, #tpu.memory_space<vmem_shared>>) dst(%dma_wait3A_20 : memref<632x128xf32, #tpu.memory_space<hbm>>)
      tpu.yield
    }) : () -> ()
    return
  }
}

#map = affine_map<(d0, d1) -> (0, 0)>
#map1 = affine_map<(d0, d1) -> (0, 0, 0)>
module attributes {stable_mosaic.version = 14 : i64} {
  func.func @_hop_body(%arg0: i32, %arg1: i32, %arg2: memref<10112x128xf32, #tpu.memory_space<hbm>>, %arg3: memref<1280x4x128xi32, #tpu.memory_space<hbm>>, %arg4: memref<2x10112x128xf32, #tpu.memory_space<hbm>>, %arg5: memref<4x128xi32, #tpu.memory_space<vmem>>, %arg6: memref<2x128x128xf32, #tpu.memory_space<vmem>>, %arg7: memref<10112x128xf32, #tpu.memory_space<vmem_shared>>, %arg8: memref<!tpu.dma_semaphore, #tpu.memory_space<semaphore_mem>>, %arg9: memref<!tpu.dma_semaphore, #tpu.memory_space<semaphore_mem>>) attributes {dimension_semantics = [#tpu.dimension_semantics<core_parallel>, #tpu.dimension_semantics<subcore_parallel>], iteration_bounds = array<i64: 2, 16>, scalar_prefetch = 0 : i64, scratch_operands = 5 : i64, tpu.core_type = #tpu.core_type<sc_vector_subcore>, window_params = [{transform_indices = #map}, {transform_indices = #map1}, {transform_indices = #map1}]} {
    %mul3A = arith.constant 2 : i32
    %mul3A_0 = arith.muli %arg1, %mul3A : i32
    %add3A = arith.addi %mul3A_0, %arg0 : i32
    %mul3A_1 = arith.constant 632 : i32
    %mul3A_2 = arith.muli %arg1, %mul3A_1 : i32
    %mul3A_3 = arith.constant 632 : i32
    %mul3A_4 = arith.muli %arg1, %mul3A_3 : i32
    "tpu.region"() ({
      %run_scoped3A = tpu.sem_alloc : memref<!tpu.dma_semaphore, #tpu.memory_space<semaphore_mem>>
      %dma_start3A = arith.constant 0 : i32
      %dma_start3A_15 = tpu.memref_slice %arg7[%mul3A_4, %dma_start3A] : memref<10112x128xf32, #tpu.memory_space<vmem_shared>> -> memref<632x128xf32, #tpu.memory_space<vmem_shared>>
      %dma_start3A_16 = arith.constant 0 : i32
      %dma_start3A_17 = tpu.memref_slice %arg2[%mul3A_2, %dma_start3A_16] : memref<10112x128xf32, #tpu.memory_space<hbm>> -> memref<632x128xf32, #tpu.memory_space<hbm>>
      tpu.enqueue_dma source(%dma_start3A_17 : memref<632x128xf32, #tpu.memory_space<hbm>>) target(%dma_start3A_15 : memref<632x128xf32, #tpu.memory_space<vmem_shared>>) target_semaphore(%run_scoped3A : memref<!tpu.dma_semaphore, #tpu.memory_space<semaphore_mem>>)
      %dma_wait3A = arith.constant 0 : i32
      %dma_wait3A_18 = tpu.memref_slice %arg7[%mul3A_4, %dma_wait3A] : memref<10112x128xf32, #tpu.memory_space<vmem_shared>> -> memref<632x128xf32, #tpu.memory_space<vmem_shared>>
      %dma_wait3A_19 = arith.constant 0 : i32
      %dma_wait3A_20 = tpu.memref_slice %arg2[%mul3A_2, %dma_wait3A_19] : memref<10112x128xf32, #tpu.memory_space<hbm>> -> memref<632x128xf32, #tpu.memory_space<hbm>>
      tpu.wait_dma2 semaphore(%run_scoped3A : memref<!tpu.dma_semaphore, #tpu.memory_space<semaphore_mem>>) src(%dma_wait3A_20 : memref<632x128xf32, #tpu.memory_space<hbm>>) dst(%dma_wait3A_18 : memref<632x128xf32, #tpu.memory_space<vmem_shared>>)
      tpu.yield
    }) : () -> ()
    %barrier3A = arith.constant 0 : index
    tpu.barrier barrier_id(%barrier3A)
    %scan3A = arith.constant 0 : i32
    %scan3A_5 = arith.constant 0 : i32
    %scan3A_6 = arith.constant 40 : i32
    %scan3A_7 = arith.addi %scan3A_5, %scan3A_6 : i32
    %scan3A_8 = arith.constant 1 : i32
    scf.for %scan3A_15 = %scan3A_5 to %scan3A_7 step %scan3A_8  : i32 {
      %mul3A_16 = arith.constant 40 : i32
      %mul3A_17 = arith.muli %add3A, %mul3A_16 : i32
      %add3A_18 = arith.addi %mul3A_17, %scan3A_15 : i32
      "tpu.region"() ({
        %run_scoped3A = tpu.sem_alloc : memref<!tpu.dma_semaphore, #tpu.memory_space<semaphore_mem>>
        %dma_start3A_113 = arith.constant 0 : i32
        %dma_start3A_114 = arith.constant 0 : i32
        %dma_start3A_115 = tpu.memref_slice %arg3[%add3A_18, %dma_start3A_113, %dma_start3A_114] : memref<1280x4x128xi32, #tpu.memory_space<hbm>> -> memref<1x4x128xi32, #tpu.memory_space<hbm>>
        %dma_start3A_116 = tpu.memref_squeeze %dma_start3A_115 : memref<1x4x128xi32, #tpu.memory_space<hbm>> -> memref<4x128xi32, #tpu.memory_space<hbm>>
        %dma_start3A_117 = arith.constant 0 : i32
        %dma_start3A_118 = arith.constant 0 : i32
        %dma_start3A_119 = tpu.memref_slice %arg3[%add3A_18, %dma_start3A_117, %dma_start3A_118] : memref<1280x4x128xi32, #tpu.memory_space<hbm>> -> memref<1x4x128xi32, #tpu.memory_space<hbm>>
        %dma_start3A_120 = tpu.memref_squeeze %dma_start3A_119 : memref<1x4x128xi32, #tpu.memory_space<hbm>> -> memref<4x128xi32, #tpu.memory_space<hbm>>
        tpu.enqueue_dma source(%dma_start3A_120 : memref<4x128xi32, #tpu.memory_space<hbm>>) target(%arg5 : memref<4x128xi32, #tpu.memory_space<vmem>>) target_semaphore(%run_scoped3A : memref<!tpu.dma_semaphore, #tpu.memory_space<semaphore_mem>>)
        %dma_wait3A_121 = arith.constant 0 : i32
        %dma_wait3A_122 = arith.constant 0 : i32
        %dma_wait3A_123 = tpu.memref_slice %arg3[%add3A_18, %dma_wait3A_121, %dma_wait3A_122] : memref<1280x4x128xi32, #tpu.memory_space<hbm>> -> memref<1x4x128xi32, #tpu.memory_space<hbm>>
        %dma_wait3A_124 = tpu.memref_squeeze %dma_wait3A_123 : memref<1x4x128xi32, #tpu.memory_space<hbm>> -> memref<4x128xi32, #tpu.memory_space<hbm>>
        %dma_wait3A_125 = arith.constant 0 : i32
        %dma_wait3A_126 = arith.constant 0 : i32
        %dma_wait3A_127 = tpu.memref_slice %arg3[%add3A_18, %dma_wait3A_125, %dma_wait3A_126] : memref<1280x4x128xi32, #tpu.memory_space<hbm>> -> memref<1x4x128xi32, #tpu.memory_space<hbm>>
        %dma_wait3A_128 = tpu.memref_squeeze %dma_wait3A_127 : memref<1x4x128xi32, #tpu.memory_space<hbm>> -> memref<4x128xi32, #tpu.memory_space<hbm>>
        tpu.wait_dma2 semaphore(%run_scoped3A : memref<!tpu.dma_semaphore, #tpu.memory_space<semaphore_mem>>) src(%dma_wait3A_128 : memref<4x128xi32, #tpu.memory_space<hbm>>) dst(%arg5 : memref<4x128xi32, #tpu.memory_space<vmem>>)
        tpu.yield
      }) : () -> ()
      %dma_start3A = arith.constant 1 : i32
      %dma_start3A_19 = arith.constant 0 : i32
      %dma_start3A_20 = arith.constant 0 : i32
      %dma_start3A_21 = arith.constant 0 : i32
      %dma_start3A_22 = tpu.memref_slice %arg6[%dma_start3A_19, %dma_start3A_20, %dma_start3A_21] : memref<2x128x128xf32, #tpu.memory_space<vmem>> -> memref<1x128x128xf32, #tpu.memory_space<vmem>>
      %dma_start3A_23 = tpu.memref_squeeze %dma_start3A_22 : memref<1x128x128xf32, #tpu.memory_space<vmem>> -> memref<128x128xf32, #tpu.memory_space<vmem>>
      %dma_start3A_24 = arith.constant 0 : i32
      %dma_start3A_25 = tpu.memref_slice %arg5[%dma_start3A, %dma_start3A_24] : memref<4x128xi32, #tpu.memory_space<vmem>> -> memref<1x128xi32, #tpu.memory_space<vmem>>
      %dma_start3A_26 = tpu.memref_squeeze %dma_start3A_25 : memref<1x128xi32, #tpu.memory_space<vmem>> -> memref<128xi32, #tpu.memory_space<vmem>>
      %dma_start3A_27 = arith.constant 0 : i32
      %dma_start3A_28 = arith.constant 0 : i32
      %dma_start3A_29 = tpu.memref_slice %arg2[%dma_start3A_27, %dma_start3A_28] : memref<10112x128xf32, #tpu.memory_space<hbm>> -> memref<10112x128xf32, #tpu.memory_space<hbm>>
      tpu.enqueue_indirect_dma source(%dma_start3A_29 : memref<10112x128xf32, #tpu.memory_space<hbm>>) target(%dma_start3A_23 : memref<128x128xf32, #tpu.memory_space<vmem>>) offsets(%dma_start3A_26 : memref<128xi32, #tpu.memory_space<vmem>>) semaphore(%arg8 : memref<!tpu.dma_semaphore, #tpu.memory_space<semaphore_mem>>)
      %dma_start3A_30 = arith.constant 3 : i32
      %dma_start3A_31 = arith.constant 1 : i32
      %dma_start3A_32 = arith.constant 0 : i32
      %dma_start3A_33 = arith.constant 0 : i32
      %dma_start3A_34 = tpu.memref_slice %arg6[%dma_start3A_31, %dma_start3A_32, %dma_start3A_33] : memref<2x128x128xf32, #tpu.memory_space<vmem>> -> memref<1x128x128xf32, #tpu.memory_space<vmem>>
      %dma_start3A_35 = tpu.memref_squeeze %dma_start3A_34 : memref<1x128x128xf32, #tpu.memory_space<vmem>> -> memref<128x128xf32, #tpu.memory_space<vmem>>
      %dma_start3A_36 = arith.constant 0 : i32
      %dma_start3A_37 = tpu.memref_slice %arg5[%dma_start3A_30, %dma_start3A_36] : memref<4x128xi32, #tpu.memory_space<vmem>> -> memref<1x128xi32, #tpu.memory_space<vmem>>
      %dma_start3A_38 = tpu.memref_squeeze %dma_start3A_37 : memref<1x128xi32, #tpu.memory_space<vmem>> -> memref<128xi32, #tpu.memory_space<vmem>>
      %dma_start3A_39 = arith.constant 0 : i32
      %dma_start3A_40 = arith.constant 0 : i32
      %dma_start3A_41 = tpu.memref_slice %arg2[%dma_start3A_39, %dma_start3A_40] : memref<10112x128xf32, #tpu.memory_space<hbm>> -> memref<10112x128xf32, #tpu.memory_space<hbm>>
      tpu.enqueue_indirect_dma source(%dma_start3A_41 : memref<10112x128xf32, #tpu.memory_space<hbm>>) target(%dma_start3A_35 : memref<128x128xf32, #tpu.memory_space<vmem>>) offsets(%dma_start3A_38 : memref<128xi32, #tpu.memory_space<vmem>>) semaphore(%arg8 : memref<!tpu.dma_semaphore, #tpu.memory_space<semaphore_mem>>)
      %dma_wait3A = arith.constant 1 : i32
      %dma_wait3A_42 = arith.constant 0 : i32
      %dma_wait3A_43 = arith.constant 0 : i32
      %dma_wait3A_44 = arith.constant 0 : i32
      %dma_wait3A_45 = tpu.memref_slice %arg6[%dma_wait3A_42, %dma_wait3A_43, %dma_wait3A_44] : memref<2x128x128xf32, #tpu.memory_space<vmem>> -> memref<1x128x128xf32, #tpu.memory_space<vmem>>
      %dma_wait3A_46 = tpu.memref_squeeze %dma_wait3A_45 : memref<1x128x128xf32, #tpu.memory_space<vmem>> -> memref<128x128xf32, #tpu.memory_space<vmem>>
      %dma_wait3A_47 = arith.constant 0 : i32
      %dma_wait3A_48 = tpu.memref_slice %arg5[%dma_wait3A, %dma_wait3A_47] : memref<4x128xi32, #tpu.memory_space<vmem>> -> memref<1x128xi32, #tpu.memory_space<vmem>>
      %dma_wait3A_49 = tpu.memref_squeeze %dma_wait3A_48 : memref<1x128xi32, #tpu.memory_space<vmem>> -> memref<128xi32, #tpu.memory_space<vmem>>
      %dma_wait3A_50 = arith.constant 0 : i32
      %dma_wait3A_51 = arith.constant 0 : i32
      %dma_wait3A_52 = tpu.memref_slice %arg2[%dma_wait3A_50, %dma_wait3A_51] : memref<10112x128xf32, #tpu.memory_space<hbm>> -> memref<10112x128xf32, #tpu.memory_space<hbm>>
      tpu.wait_indirect_dma semaphore(%arg8 : memref<!tpu.dma_semaphore, #tpu.memory_space<semaphore_mem>>) src(%dma_wait3A_52 : memref<10112x128xf32, #tpu.memory_space<hbm>>) dst(%dma_wait3A_46 : memref<128x128xf32, #tpu.memory_space<vmem>>)
      %dma_start3A_53 = arith.constant 0 : i32
      %dma_start3A_54 = arith.constant 0 : i32
      %dma_start3A_55 = arith.constant 0 : i32
      %dma_start3A_56 = arith.constant 0 : i32
      %dma_start3A_57 = tpu.memref_slice %arg6[%dma_start3A_53, %dma_start3A_55, %dma_start3A_56] : memref<2x128x128xf32, #tpu.memory_space<vmem>> -> memref<1x128x128xf32, #tpu.memory_space<vmem>>
      %dma_start3A_58 = tpu.memref_squeeze %dma_start3A_57 : memref<1x128x128xf32, #tpu.memory_space<vmem>> -> memref<128x128xf32, #tpu.memory_space<vmem>>
      %dma_start3A_59 = arith.constant 0 : i32
      %dma_start3A_60 = tpu.memref_slice %arg5[%dma_start3A_54, %dma_start3A_59] : memref<4x128xi32, #tpu.memory_space<vmem>> -> memref<1x128xi32, #tpu.memory_space<vmem>>
      %dma_start3A_61 = tpu.memref_squeeze %dma_start3A_60 : memref<1x128xi32, #tpu.memory_space<vmem>> -> memref<128xi32, #tpu.memory_space<vmem>>
      %dma_start3A_62 = arith.constant 0 : i32
      %dma_start3A_63 = arith.constant 0 : i32
      %dma_start3A_64 = tpu.memref_slice %arg7[%dma_start3A_62, %dma_start3A_63] : memref<10112x128xf32, #tpu.memory_space<vmem_shared>> -> memref<10112x128xf32, #tpu.memory_space<vmem_shared>>
      tpu.enqueue_indirect_dma source(%dma_start3A_58 : memref<128x128xf32, #tpu.memory_space<vmem>>) target(%dma_start3A_64 : memref<10112x128xf32, #tpu.memory_space<vmem_shared>>) offsets(%dma_start3A_61 : memref<128xi32, #tpu.memory_space<vmem>>) semaphore(%arg9 : memref<!tpu.dma_semaphore, #tpu.memory_space<semaphore_mem>>) {add = true}
      %dma_wait3A_65 = arith.constant 3 : i32
      %dma_wait3A_66 = arith.constant 1 : i32
      %dma_wait3A_67 = arith.constant 0 : i32
      %dma_wait3A_68 = arith.constant 0 : i32
      %dma_wait3A_69 = tpu.memref_slice %arg6[%dma_wait3A_66, %dma_wait3A_67, %dma_wait3A_68] : memref<2x128x128xf32, #tpu.memory_space<vmem>> -> memref<1x128x128xf32, #tpu.memory_space<vmem>>
      %dma_wait3A_70 = tpu.memref_squeeze %dma_wait3A_69 : memref<1x128x128xf32, #tpu.memory_space<vmem>> -> memref<128x128xf32, #tpu.memory_space<vmem>>
      %dma_wait3A_71 = arith.constant 0 : i32
      %dma_wait3A_72 = tpu.memref_slice %arg5[%dma_wait3A_65, %dma_wait3A_71] : memref<4x128xi32, #tpu.memory_space<vmem>> -> memref<1x128xi32, #tpu.memory_space<vmem>>
      %dma_wait3A_73 = tpu.memref_squeeze %dma_wait3A_72 : memref<1x128xi32, #tpu.memory_space<vmem>> -> memref<128xi32, #tpu.memory_space<vmem>>
      %dma_wait3A_74 = arith.constant 0 : i32
      %dma_wait3A_75 = arith.constant 0 : i32
      %dma_wait3A_76 = tpu.memref_slice %arg2[%dma_wait3A_74, %dma_wait3A_75] : memref<10112x128xf32, #tpu.memory_space<hbm>> -> memref<10112x128xf32, #tpu.memory_space<hbm>>
      tpu.wait_indirect_dma semaphore(%arg8 : memref<!tpu.dma_semaphore, #tpu.memory_space<semaphore_mem>>) src(%dma_wait3A_76 : memref<10112x128xf32, #tpu.memory_space<hbm>>) dst(%dma_wait3A_70 : memref<128x128xf32, #tpu.memory_space<vmem>>)
      %dma_start3A_77 = arith.constant 1 : i32
      %dma_start3A_78 = arith.constant 2 : i32
      %dma_start3A_79 = arith.constant 0 : i32
      %dma_start3A_80 = arith.constant 0 : i32
      %dma_start3A_81 = tpu.memref_slice %arg6[%dma_start3A_77, %dma_start3A_79, %dma_start3A_80] : memref<2x128x128xf32, #tpu.memory_space<vmem>> -> memref<1x128x128xf32, #tpu.memory_space<vmem>>
      %dma_start3A_82 = tpu.memref_squeeze %dma_start3A_81 : memref<1x128x128xf32, #tpu.memory_space<vmem>> -> memref<128x128xf32, #tpu.memory_space<vmem>>
      %dma_start3A_83 = arith.constant 0 : i32
      %dma_start3A_84 = tpu.memref_slice %arg5[%dma_start3A_78, %dma_start3A_83] : memref<4x128xi32, #tpu.memory_space<vmem>> -> memref<1x128xi32, #tpu.memory_space<vmem>>
      %dma_start3A_85 = tpu.memref_squeeze %dma_start3A_84 : memref<1x128xi32, #tpu.memory_space<vmem>> -> memref<128xi32, #tpu.memory_space<vmem>>
      %dma_start3A_86 = arith.constant 0 : i32
      %dma_start3A_87 = arith.constant 0 : i32
      %dma_start3A_88 = tpu.memref_slice %arg7[%dma_start3A_86, %dma_start3A_87] : memref<10112x128xf32, #tpu.memory_space<vmem_shared>> -> memref<10112x128xf32, #tpu.memory_space<vmem_shared>>
      tpu.enqueue_indirect_dma source(%dma_start3A_82 : memref<128x128xf32, #tpu.memory_space<vmem>>) target(%dma_start3A_88 : memref<10112x128xf32, #tpu.memory_space<vmem_shared>>) offsets(%dma_start3A_85 : memref<128xi32, #tpu.memory_space<vmem>>) semaphore(%arg9 : memref<!tpu.dma_semaphore, #tpu.memory_space<semaphore_mem>>) {add = true}
      %dma_wait3A_89 = arith.constant 0 : i32
      %dma_wait3A_90 = arith.constant 0 : i32
      %dma_wait3A_91 = arith.constant 0 : i32
      %dma_wait3A_92 = arith.constant 0 : i32
      %dma_wait3A_93 = tpu.memref_slice %arg6[%dma_wait3A_89, %dma_wait3A_91, %dma_wait3A_92] : memref<2x128x128xf32, #tpu.memory_space<vmem>> -> memref<1x128x128xf32, #tpu.memory_space<vmem>>
      %dma_wait3A_94 = tpu.memref_squeeze %dma_wait3A_93 : memref<1x128x128xf32, #tpu.memory_space<vmem>> -> memref<128x128xf32, #tpu.memory_space<vmem>>
      %dma_wait3A_95 = arith.constant 0 : i32
      %dma_wait3A_96 = tpu.memref_slice %arg5[%dma_wait3A_90, %dma_wait3A_95] : memref<4x128xi32, #tpu.memory_space<vmem>> -> memref<1x128xi32, #tpu.memory_space<vmem>>
      %dma_wait3A_97 = tpu.memref_squeeze %dma_wait3A_96 : memref<1x128xi32, #tpu.memory_space<vmem>> -> memref<128xi32, #tpu.memory_space<vmem>>
      %dma_wait3A_98 = arith.constant 0 : i32
      %dma_wait3A_99 = arith.constant 0 : i32
      %dma_wait3A_100 = tpu.memref_slice %arg7[%dma_wait3A_98, %dma_wait3A_99] : memref<10112x128xf32, #tpu.memory_space<vmem_shared>> -> memref<10112x128xf32, #tpu.memory_space<vmem_shared>>
      tpu.wait_indirect_dma semaphore(%arg9 : memref<!tpu.dma_semaphore, #tpu.memory_space<semaphore_mem>>) src(%dma_wait3A_94 : memref<128x128xf32, #tpu.memory_space<vmem>>) dst(%dma_wait3A_100 : memref<10112x128xf32, #tpu.memory_space<vmem_shared>>)
      %dma_wait3A_101 = arith.constant 1 : i32
      %dma_wait3A_102 = arith.constant 2 : i32
      %dma_wait3A_103 = arith.constant 0 : i32
      %dma_wait3A_104 = arith.constant 0 : i32
      %dma_wait3A_105 = tpu.memref_slice %arg6[%dma_wait3A_101, %dma_wait3A_103, %dma_wait3A_104] : memref<2x128x128xf32, #tpu.memory_space<vmem>> -> memref<1x128x128xf32, #tpu.memory_space<vmem>>
      %dma_wait3A_106 = tpu.memref_squeeze %dma_wait3A_105 : memref<1x128x128xf32, #tpu.memory_space<vmem>> -> memref<128x128xf32, #tpu.memory_space<vmem>>
      %dma_wait3A_107 = arith.constant 0 : i32
      %dma_wait3A_108 = tpu.memref_slice %arg5[%dma_wait3A_102, %dma_wait3A_107] : memref<4x128xi32, #tpu.memory_space<vmem>> -> memref<1x128xi32, #tpu.memory_space<vmem>>
      %dma_wait3A_109 = tpu.memref_squeeze %dma_wait3A_108 : memref<1x128xi32, #tpu.memory_space<vmem>> -> memref<128xi32, #tpu.memory_space<vmem>>
      %dma_wait3A_110 = arith.constant 0 : i32
      %dma_wait3A_111 = arith.constant 0 : i32
      %dma_wait3A_112 = tpu.memref_slice %arg7[%dma_wait3A_110, %dma_wait3A_111] : memref<10112x128xf32, #tpu.memory_space<vmem_shared>> -> memref<10112x128xf32, #tpu.memory_space<vmem_shared>>
      tpu.wait_indirect_dma semaphore(%arg9 : memref<!tpu.dma_semaphore, #tpu.memory_space<semaphore_mem>>) src(%dma_wait3A_106 : memref<128x128xf32, #tpu.memory_space<vmem>>) dst(%dma_wait3A_112 : memref<10112x128xf32, #tpu.memory_space<vmem_shared>>)
    }
    %scan3A_9 = arith.constant 40 : i32
    %barrier3A_10 = arith.constant 0 : index
    tpu.barrier barrier_id(%barrier3A_10)
    %mul3A_11 = arith.constant 632 : i32
    %mul3A_12 = arith.muli %arg1, %mul3A_11 : i32
    %mul3A_13 = arith.constant 632 : i32
    %mul3A_14 = arith.muli %arg1, %mul3A_13 : i32
    "tpu.region"() ({
      %run_scoped3A = tpu.sem_alloc : memref<!tpu.dma_semaphore, #tpu.memory_space<semaphore_mem>>
      %dma_start3A = arith.constant 0 : i32
      %dma_start3A_15 = tpu.memref_slice %arg4[%arg0, %mul3A_14, %dma_start3A] : memref<2x10112x128xf32, #tpu.memory_space<hbm>> -> memref<1x632x128xf32, #tpu.memory_space<hbm>>
      %dma_start3A_16 = tpu.memref_squeeze %dma_start3A_15 : memref<1x632x128xf32, #tpu.memory_space<hbm>> -> memref<632x128xf32, #tpu.memory_space<hbm>>
      %dma_start3A_17 = arith.constant 0 : i32
      %dma_start3A_18 = tpu.memref_slice %arg7[%mul3A_12, %dma_start3A_17] : memref<10112x128xf32, #tpu.memory_space<vmem_shared>> -> memref<632x128xf32, #tpu.memory_space<vmem_shared>>
      tpu.enqueue_dma source(%dma_start3A_18 : memref<632x128xf32, #tpu.memory_space<vmem_shared>>) target(%dma_start3A_16 : memref<632x128xf32, #tpu.memory_space<hbm>>) target_semaphore(%run_scoped3A : memref<!tpu.dma_semaphore, #tpu.memory_space<semaphore_mem>>)
      %dma_wait3A = arith.constant 0 : i32
      %dma_wait3A_19 = tpu.memref_slice %arg4[%arg0, %mul3A_14, %dma_wait3A] : memref<2x10112x128xf32, #tpu.memory_space<hbm>> -> memref<1x632x128xf32, #tpu.memory_space<hbm>>
      %dma_wait3A_20 = tpu.memref_squeeze %dma_wait3A_19 : memref<1x632x128xf32, #tpu.memory_space<hbm>> -> memref<632x128xf32, #tpu.memory_space<hbm>>
      %dma_wait3A_21 = arith.constant 0 : i32
      %dma_wait3A_22 = tpu.memref_slice %arg7[%mul3A_12, %dma_wait3A_21] : memref<10112x128xf32, #tpu.memory_space<vmem_shared>> -> memref<632x128xf32, #tpu.memory_space<vmem_shared>>
      tpu.wait_dma2 semaphore(%run_scoped3A : memref<!tpu.dma_semaphore, #tpu.memory_space<semaphore_mem>>) src(%dma_wait3A_22 : memref<632x128xf32, #tpu.memory_space<vmem_shared>>) dst(%dma_wait3A_20 : memref<632x128xf32, #tpu.memory_space<hbm>>)
      tpu.yield
    }) : () -> ()
    return
  }
}

module attributes {stable_mosaic.version = 14 : i64} {
  func.func @_prep_tc(%arg0: memref<10000x128xf32, #tpu.memory_space<vmem>>, %arg1: memref<2x10240x128xf32, #tpu.memory_space<vmem>>, %arg2: memref<10112x128xf32, #tpu.memory_space<vmem>>) attributes {dimension_semantics = [], scalar_prefetch = 0 : i64, scratch_operands = 0 : i64, tpu.core_type = #tpu.core_type<tc>} {
    %get3A = arith.constant 0 : index
    %get3A_0 = arith.constant 0 : index
    %get3A_1 = vector.load %arg0[%get3A, %get3A_0] : memref<10000x128xf32, #tpu.memory_space<vmem>>, vector<10000x128xf32>
    %reduce_sum3A = arith.constant dense<0.000000e+00> : vector<128xf32>
    %reduce_sum3A_2 = vector.multi_reduction <add>, %get3A_1, %reduce_sum3A [0] : vector<10000x128xf32> to vector<128xf32>
    %broadcast_in_dim3A = vector.shape_cast %reduce_sum3A_2 : vector<128xf32> to vector<1x128xf32>
    %div3A = arith.constant 1.000000e+04 : f32
    %div3A_3 = vector.broadcast %div3A : f32 to vector<1x128xf32>
    %div3A_4 = arith.divf %broadcast_in_dim3A, %div3A_3 : vector<1x128xf32>
    %sub3A = vector.broadcast %div3A_4 : vector<1x128xf32> to vector<10000x128xf32>
    %sub3A_5 = arith.subf %get3A_1, %sub3A : vector<10000x128xf32>
    %mul3A = arith.mulf %sub3A_5, %sub3A_5 : vector<10000x128xf32>
    %reduce_sum3A_6 = arith.constant dense<0.000000e+00> : vector<128xf32>
    %reduce_sum3A_7 = vector.multi_reduction <add>, %mul3A, %reduce_sum3A_6 [0] : vector<10000x128xf32> to vector<128xf32>
    %broadcast_in_dim3A_8 = vector.shape_cast %reduce_sum3A_7 : vector<128xf32> to vector<1x128xf32>
    %div3A_9 = arith.constant 9.999000e+03 : f32
    %div3A_10 = vector.broadcast %div3A_9 : f32 to vector<1x128xf32>
    %div3A_11 = arith.divf %broadcast_in_dim3A_8, %div3A_10 : vector<1x128xf32>
    %sqrt3A = math.sqrt %div3A_11 : vector<1x128xf32>
    %eq3A = arith.constant 0.000000e+00 : f32
    %eq3A_12 = vector.broadcast %eq3A : f32 to vector<1x128xf32>
    %eq3A_13 = arith.cmpf oeq, %sqrt3A, %eq3A_12 : vector<1x128xf32>
    %jit3A = arith.constant 1.000000e+00 : f32
    %broadcast_in_dim3A_14 = vector.broadcast %jit3A : f32 to vector<1x128xf32>
    %select_n3A = arith.select %eq3A_13, %broadcast_in_dim3A_14, %sqrt3A : vector<1x128xi1>, vector<1x128xf32>
    %div3A_15 = vector.broadcast %select_n3A : vector<1x128xf32> to vector<10000x128xf32>
    %div3A_16 = arith.divf %sub3A_5, %div3A_15 : vector<10000x128xf32>
    %broadcast_in_dim3A_17 = arith.constant 0.000000e+00 : f32
    %broadcast_in_dim3A_18 = vector.broadcast %broadcast_in_dim3A_17 : f32 to vector<112x128xf32>
    %concatenate3A = tpu.concatenate %div3A_16, %broadcast_in_dim3A_18 in 0 : vector<10000x128xf32>, vector<112x128xf32> -> vector<10112x128xf32>
    %get3A_19 = arith.constant 0 : index
    %get3A_20 = arith.constant 0 : index
    %get3A_21 = arith.constant 0 : index
    %get3A_22 = vector.load %arg1[%get3A_19, %get3A_20, %get3A_21] : memref<2x10240x128xf32, #tpu.memory_space<vmem>>, vector<2x10240x128xf32>
    %slice3A = vector.extract_strided_slice %get3A_22 {offsets = [0, 0, 0], sizes = [1, 10112, 1], strides = [1, 1, 1]} : vector<2x10240x128xf32> to vector<1x10112x1xf32>
    %squeeze3A = vector.shape_cast %slice3A : vector<1x10112x1xf32> to vector<10112x1xf32>
    %slice3A_23 = vector.extract_strided_slice %get3A_22 {offsets = [1, 0, 0], sizes = [1, 10112, 1], strides = [1, 1, 1]} : vector<2x10240x128xf32> to vector<1x10112x1xf32>
    %squeeze3A_24 = vector.shape_cast %slice3A_23 : vector<1x10112x1xf32> to vector<10112x1xf32>
    %add3A = arith.addf %squeeze3A, %squeeze3A_24 : vector<10112x1xf32>
    %add3A_25 = arith.constant 1.000000e+00 : f32
    %add3A_26 = vector.broadcast %add3A_25 : f32 to vector<10112x1xf32>
    %add3A_27 = arith.addf %add3A, %add3A_26 : vector<10112x1xf32>
    %rsqrt3A = math.rsqrt %add3A_27 : vector<10112x1xf32>
    %mul3A_28 = vector.broadcast %rsqrt3A : vector<10112x1xf32> to vector<10112x128xf32>
    %mul3A_29 = arith.mulf %concatenate3A, %mul3A_28 : vector<10112x128xf32>
    %swap3A = arith.constant 0 : index
    %swap3A_30 = arith.constant 0 : index
    %swap3A_31 = vector.load %arg2[%swap3A, %swap3A_30] : memref<10112x128xf32, #tpu.memory_space<vmem>>, vector<10112x128xf32>
    tpu.vector_store %arg2[%swap3A, %swap3A_30], %mul3A_29 {strides = array<i32>} : memref<10112x128xf32, #tpu.memory_space<vmem>>, vector<10112x128xf32>,
    return
  }
}

module attributes {stable_mosaic.version = 14 : i64} {
  func.func @_mid_tc(%arg0: memref<2x10112x128xf32, #tpu.memory_space<vmem>>, %arg1: memref<10112x128xf32, #tpu.memory_space<vmem>>, %arg2: memref<2x10240x128xf32, #tpu.memory_space<vmem>>, %arg3: memref<10112x128xf32, #tpu.memory_space<vmem>>) attributes {dimension_semantics = [], scalar_prefetch = 0 : i64, scratch_operands = 0 : i64, tpu.core_type = #tpu.core_type<tc>} {
    %get3A = arith.constant 0 : index
    %get3A_0 = arith.constant 0 : index
    %get3A_1 = arith.constant 0 : index
    %get3A_2 = vector.load %arg2[%get3A, %get3A_0, %get3A_1] : memref<2x10240x128xf32, #tpu.memory_space<vmem>>, vector<2x10240x128xf32>
    %slice3A = vector.extract_strided_slice %get3A_2 {offsets = [0, 0, 0], sizes = [1, 10112, 1], strides = [1, 1, 1]} : vector<2x10240x128xf32> to vector<1x10112x1xf32>
    %squeeze3A = vector.shape_cast %slice3A : vector<1x10112x1xf32> to vector<10112x1xf32>
    %slice3A_3 = vector.extract_strided_slice %get3A_2 {offsets = [1, 0, 0], sizes = [1, 10112, 1], strides = [1, 1, 1]} : vector<2x10240x128xf32> to vector<1x10112x1xf32>
    %squeeze3A_4 = vector.shape_cast %slice3A_3 : vector<1x10112x1xf32> to vector<10112x1xf32>
    %add3A = arith.addf %squeeze3A, %squeeze3A_4 : vector<10112x1xf32>
    %add3A_5 = arith.constant 1.000000e+00 : f32
    %add3A_6 = vector.broadcast %add3A_5 : f32 to vector<10112x1xf32>
    %add3A_7 = arith.addf %add3A, %add3A_6 : vector<10112x1xf32>
    %get3A_8 = arith.constant 0 : index
    %get3A_9 = arith.constant 0 : index
    %get3A_10 = arith.constant 0 : index
    %get3A_11 = vector.load %arg0[%get3A_8, %get3A_9, %get3A_10] : memref<2x10112x128xf32, #tpu.memory_space<vmem>>, vector<1x10112x128xf32>
    %get3A_12 = vector.shape_cast %get3A_11 : vector<1x10112x128xf32> to vector<10112x128xf32>
    %get3A_13 = arith.constant 1 : index
    %get3A_14 = arith.constant 0 : index
    %get3A_15 = arith.constant 0 : index
    %get3A_16 = vector.load %arg0[%get3A_13, %get3A_14, %get3A_15] : memref<2x10112x128xf32, #tpu.memory_space<vmem>>, vector<1x10112x128xf32>
    %get3A_17 = vector.shape_cast %get3A_16 : vector<1x10112x128xf32> to vector<10112x128xf32>
    %add3A_18 = arith.addf %get3A_12, %get3A_17 : vector<10112x128xf32>
    %get3A_19 = arith.constant 0 : index
    %get3A_20 = arith.constant 0 : index
    %get3A_21 = vector.load %arg1[%get3A_19, %get3A_20] : memref<10112x128xf32, #tpu.memory_space<vmem>>, vector<10112x128xf32>
    %sub3A = arith.subf %add3A_18, %get3A_21 : vector<10112x128xf32>
    %div3A = vector.broadcast %add3A_7 : vector<10112x1xf32> to vector<10112x128xf32>
    %div3A_22 = arith.divf %sub3A, %div3A : vector<10112x128xf32>
    %swap3A = arith.constant 0 : index
    %swap3A_23 = arith.constant 0 : index
    %swap3A_24 = vector.load %arg3[%swap3A, %swap3A_23] : memref<10112x128xf32, #tpu.memory_space<vmem>>, vector<10112x128xf32>
    tpu.vector_store %arg3[%swap3A, %swap3A_23], %div3A_22 {strides = array<i32>} : memref<10112x128xf32, #tpu.memory_space<vmem>>, vector<10112x128xf32>,
    return
  }
}

module attributes {stable_mosaic.version = 14 : i64} {
  func.func @_fin_tc(%arg0: memref<2x10112x128xf32, #tpu.memory_space<vmem>>, %arg1: memref<10112x128xf32, #tpu.memory_space<vmem>>, %arg2: memref<2x10240x128xf32, #tpu.memory_space<vmem>>, %arg3: memref<10000x128xf32, #tpu.memory_space<vmem>>) attributes {dimension_semantics = [], scalar_prefetch = 0 : i64, scratch_operands = 0 : i64, tpu.core_type = #tpu.core_type<tc>} {
    %get3A = arith.constant 0 : index
    %get3A_0 = arith.constant 0 : index
    %get3A_1 = arith.constant 0 : index
    %get3A_2 = vector.load %arg2[%get3A, %get3A_0, %get3A_1] : memref<2x10240x128xf32, #tpu.memory_space<vmem>>, vector<2x10240x128xf32>
    %slice3A = vector.extract_strided_slice %get3A_2 {offsets = [0, 0, 0], sizes = [1, 10112, 1], strides = [1, 1, 1]} : vector<2x10240x128xf32> to vector<1x10112x1xf32>
    %squeeze3A = vector.shape_cast %slice3A : vector<1x10112x1xf32> to vector<10112x1xf32>
    %slice3A_3 = vector.extract_strided_slice %get3A_2 {offsets = [1, 0, 0], sizes = [1, 10112, 1], strides = [1, 1, 1]} : vector<2x10240x128xf32> to vector<1x10112x1xf32>
    %squeeze3A_4 = vector.shape_cast %slice3A_3 : vector<1x10112x1xf32> to vector<10112x1xf32>
    %add3A = arith.addf %squeeze3A, %squeeze3A_4 : vector<10112x1xf32>
    %add3A_5 = arith.constant 1.000000e+00 : f32
    %add3A_6 = vector.broadcast %add3A_5 : f32 to vector<10112x1xf32>
    %add3A_7 = arith.addf %add3A, %add3A_6 : vector<10112x1xf32>
    %get3A_8 = arith.constant 0 : index
    %get3A_9 = arith.constant 0 : index
    %get3A_10 = arith.constant 0 : index
    %get3A_11 = vector.load %arg0[%get3A_8, %get3A_9, %get3A_10] : memref<2x10112x128xf32, #tpu.memory_space<vmem>>, vector<1x10112x128xf32>
    %get3A_12 = vector.shape_cast %get3A_11 : vector<1x10112x128xf32> to vector<10112x128xf32>
    %get3A_13 = arith.constant 1 : index
    %get3A_14 = arith.constant 0 : index
    %get3A_15 = arith.constant 0 : index
    %get3A_16 = vector.load %arg0[%get3A_13, %get3A_14, %get3A_15] : memref<2x10112x128xf32, #tpu.memory_space<vmem>>, vector<1x10112x128xf32>
    %get3A_17 = vector.shape_cast %get3A_16 : vector<1x10112x128xf32> to vector<10112x128xf32>
    %add3A_18 = arith.addf %get3A_12, %get3A_17 : vector<10112x128xf32>
    %get3A_19 = arith.constant 0 : index
    %get3A_20 = arith.constant 0 : index
    %get3A_21 = vector.load %arg1[%get3A_19, %get3A_20] : memref<10112x128xf32, #tpu.memory_space<vmem>>, vector<10112x128xf32>
    %sub3A = arith.subf %add3A_18, %get3A_21 : vector<10112x128xf32>
    %rsqrt3A = math.rsqrt %add3A_7 : vector<10112x1xf32>
    %mul3A = vector.broadcast %rsqrt3A : vector<10112x1xf32> to vector<10112x128xf32>
    %mul3A_22 = arith.mulf %sub3A, %mul3A : vector<10112x128xf32>
    %slice3A_23 = vector.extract_strided_slice %mul3A_22 {offsets = [0, 0], sizes = [10000, 128], strides = [1, 1]} : vector<10112x128xf32> to vector<10000x128xf32>
    %swap3A = arith.constant 0 : index
    %swap3A_24 = arith.constant 0 : index
    %swap3A_25 = vector.load %arg3[%swap3A, %swap3A_24] : memref<10000x128xf32, #tpu.memory_space<vmem>>, vector<10000x128xf32>
    tpu.vector_store %arg3[%swap3A, %swap3A_24], %slice3A_23 {strides = array<i32>} : memref<10000x128xf32, #tpu.memory_space<vmem>>, vector<10000x128xf32>,
    return
  }
}

</mosaic_0001>

<sc_bundles>
// kernel: kernel.11.cloned.1.call-start
scs
__scs_entry_jumppad:
0x0: {  	(pc) =	sbr.rel $0x88, $3  }
0x1: {  	(tag) =	ssettag $0x0;
	lr =	simm.s32 $0x1  }
0x2: {  	[smem:$0x3F9F] =	sst lr;
	_ =	strace $0xD0000000  }
0x3: {  	_ = 	snop  }
0x4: {  	_ = 	snop  }
0x5: {  	_ = 	snop  }
0x6: {  	_ = 	snop  }
0x7: {  	_ = 	snop  }
__scs_overlays_trampoline_lowered:
0x8: {  	[smem:$0x3FAE] =	sst s0  }
0x9: {  	[smem:$0x3FAF] =	sst s1  }
0xa: {  	[smem:$0x3FB0] =	sst s2  }
0xb: {  	[smem:$0x3FB1] =	sst s3  }
0xc: {  	[smem:$0x3FB2] =	sst s4  }
0xd: {  	[smem:$0x3FB3] =	sst s5  }
0xe: {  	[smem:$0x3FB4] =	sst s6  }
0xf: {  	[smem:$0x3FB5] =	sst s7  }
0x10: {  	[smem:$0x3FB6] =	sst s8  }
0x11: {  	[smem:$0x3FB7] =	sst s9;
	s0 =	simm.s32 @!p0 $0x0  }
0x12: {  	s1 =	sld [smem:$0x3F9D];
	s0 =	simm.s32 @p0 $0x1  }
0x13: {  	[smem:$0x3FB8] =	sst s0;
	s0 =	simm.s32 @!p1 $0x0  }
0x14: {  	s2 =	sld [smem:$0x3F9C];
	s0 =	simm.s32 @p1 $0x1  }
0x15: {  	[smem:$0x3FB9] =	sst s0;
	s0 =	simm.s32 @!p2 $0x0  }
0x16: {  	s3 =	sld [smem:$0x3FDB];
	s0 =	simm.s32 @p2 $0x1  }
0x17: {  	s4 =	simm.s32 $0x1BF5;
	[smem:$0x3FBB] =	sst s0  }
0x18: {  	s0 =	sld [smem:$0x3F9E];
	_ =	swait.ge [sflag:s4], $0x0  }
0x19: {  	s7 =	sld [smem:$0x3F9F]  }
0x1a: {  	s8 =	sadd.s32 $0xFFFFE003, lr  }
0x1b: {  	s9 =	sadd.s32 $0xFFFFFEF7, lr;
	s5 =	simm.s32 $0xFFFFFFFF;
	p2 =	slt.u32 s8, $0xFFFFF086  }
0x1c: {  	p1 =	slt.u32 s9, $0xF7A;
	s5 =	simm.s32 @!p2 $0x0  }
0x1d: {  	s5 =	simm.s32 @p1 $0x1;
	p0 =	seq.s32 s7, s2  }
0x1e: {  	s7 =	smul.u32 @!p0 $0xF7A, s2;
	p2 =	seq.s32 @!p0 s5, $0x0  }
0x1f: {  	s9 =	smul.u32 $0xF7A, s1;
	s8 =	simm.s32 @!p0 $0x1BF5;
	p2 =	por !p2, p0  }
0x20: {  	[sflag:s8] =	ssyncset.s32 @!p0 $0xFFFFF086;
	s6 =	sadd.s32 @!p0 s3, s7;
	s7 =	simm.s32 @!p0 $0x108  }
0x21: {  	s3 =	sadd.s32 s3, s9;
	s6 =	sadd.s32 @!p0 $0x88, s6;
	s7 =	simm.s32 @p2 $0x1082  }
0x22: {  	[simem:s7], [sflag:s8] =	dma.local @!p0 [hbm:s6], $0xF7A  }
0x23: {  	s9 =	sor.u32 $0xD0000000, s2;
	s6 =	simm.s32 $0x108;
	_ =	swait.ge @!p0 [sflag:s8], $0x0  }
0x24: {  	s3 =	sadd.s32 $0x88, s3;
	s6 =	simm.s32 @!p1 $0x1082;
	[sflag:s4] =	ssyncset.s32 $0xFFFFF086  }
0x25: {  	[simem:s6], [sflag:s4] =	dma.local [hbm:s3], $0xF7A  }
0x26: {  	[smem:$0x3F9F] =	sst s1;
	(tag) =	ssettag s2;
	_ =	strace s9  }
0x27: {  	s1 =	sld [smem:$0x3FAF]  }
0x28: {  	s2 =	sld [smem:$0x3FB0]  }
0x29: {  	s4 =	sld [smem:$0x3FB2]  }
0x2a: {  	p0 =	seq.s32 s5, $0x0;
	s5 =	sld [smem:$0x3FB3]  }
0x2b: {  	s6 =	sld [smem:$0x3FB4]  }
0x2c: {  	s7 =	sld [smem:$0x3FB5]  }
0x2d: {  	s3 =	simm.s32 $0x108;
	s8 =	sld [smem:$0x3FB6]  }
0x2e: {  	s3 =	simm.s32 @!p0 $0x1082;
	s9 =	sld [smem:$0x3FB7]  }
0x2f: {  	lr =	sadd.s32 s0, s3;
	s0 =	sld [smem:$0x3FAE]  }
0x30: {  	s3 =	sld [smem:$0x3FB1]  }
0x31: {  	[smem:$0x3FBA] =	sst s10  }
0x32: {  	s10 =	sld [smem:$0x3FB8];
	_ =	sdelay $0x3  }
0x33: {  	p0 =	seq.s32 s10, $0x1;
	s10 =	sld [smem:$0x3FBA];
	_ =	sdelay $0x3  }
0x34: {  	[smem:$0x3FBA] =	sst s10  }
0x35: {  	s10 =	sld [smem:$0x3FB9];
	_ =	sdelay $0x3  }
0x36: {  	p1 =	seq.s32 s10, $0x1;
	s10 =	sld [smem:$0x3FBA];
	_ =	sdelay $0x3  }
0x37: {  	[smem:$0x3FBA] =	sst s10  }
0x38: {  	s10 =	sld [smem:$0x3FBB]  }
0x39: {  	_ = 	snop;
	(pc) =	sbr.ind lr, $3  }
0x3a: {  	_ = 	snop  }
0x3b: {  	_ = 	snop  }
0x3c: {  	p2 =	seq.s32 s10, $0x1;
	s10 =	sld [smem:$0x3FBA]  }
0x3d: {  	_ =	shalt  }
0x3e: {  	_ =	shalt  }
0x3f: {  	_ =	shalt  }
0x40: {  	_ =	shalt  }
0x41: {  	_ =	shalt  }
0x42: {  	_ =	shalt  }
0x43: {  	_ =	shalt  }
0x44: {  	_ =	shalt  }
0x45: {  	_ =	shalt  }
0x46: {  	_ =	shalt  }
0x47: {  	_ =	shalt  }
0x48: {  	_ =	shalt  }
0x49: {  	_ =	shalt  }
0x4a: {  	_ =	shalt  }
0x4b: {  	_ =	shalt  }
0x4c: {  	_ =	shalt  }
0x4d: {  	_ =	shalt  }
0x4e: {  	_ =	shalt  }
0x4f: {  	_ =	shalt  }
0x50: {  	_ =	shalt  }
0x51: {  	_ =	shalt  }
0x52: {  	_ =	shalt  }
0x53: {  	_ =	shalt  }
0x54: {  	_ =	shalt  }
0x55: {  	_ =	shalt  }
0x56: {  	_ =	shalt  }
0x57: {  	_ =	shalt  }
0x58: {  	_ =	shalt  }
0x59: {  	_ =	shalt  }
0x5a: {  	_ =	shalt  }
0x5b: {  	_ =	shalt  }
0x5c: {  	_ =	shalt  }
0x5d: {  	_ =	shalt  }
0x5e: {  	_ =	shalt  }
0x5f: {  	_ =	shalt  }
0x60: {  	_ =	shalt  }
0x61: {  	_ =	shalt  }
0x62: {  	_ =	shalt  }
0x63: {  	_ =	shalt  }
0x64: {  	_ =	shalt  }
0x65: {  	_ =	shalt  }
0x66: {  	_ =	shalt  }
0x67: {  	_ =	shalt  }
0x68: {  	_ =	shalt  }
0x69: {  	_ =	shalt  }
0x6a: {  	_ =	shalt  }
0x6b: {  	_ =	shalt  }
0x6c: {  	_ =	shalt  }
0x6d: {  	_ =	shalt  }
0x6e: {  	_ =	shalt  }
0x6f: {  	_ =	shalt  }
0x70: {  	_ =	shalt  }
0x71: {  	_ =	shalt  }
0x72: {  	_ =	shalt  }
0x73: {  	_ =	shalt  }
0x74: {  	_ =	shalt  }
0x75: {  	_ =	shalt  }
0x76: {  	_ =	shalt  }
0x77: {  	_ =	shalt  }
0x78: {  	_ =	shalt  }
0x79: {  	_ =	shalt  }
0x7a: {  	_ =	shalt  }
0x7b: {  	_ =	shalt  }
0x7c: {  	_ =	shalt  }
0x7d: {  	_ =	shalt  }
0x7e: {  	_ =	shalt  }
0x7f: {  	_ =	shalt  }
0x80: {  	_ =	shalt  }
0x81: {  	_ =	shalt  }
0x82: {  	_ =	shalt  }
0x83: {  	_ =	shalt  }
0x84: {  	_ =	shalt  }
0x85: {  	_ =	shalt  }
0x86: {  	_ =	shalt  }
0x87: {  	_ =	shalt  }
.Lfunc_end0:
.L_simem_size_0:
called_computation.1_lowered:
.L_overlay_start_0:
0x88: {  	s2 =	sld [smem:$0x3FD9]  }
0x89: {  	s3 =	sld [smem:$0x3FFE];
	_ =	sdelay $0x1  }
0x8a: {  	s1 =	srdreg.scid  }
0x8b: {  	s0 =	sand.u32 $0x1, s1  }
0x8c: {  	s17 =	sshll.u32 s0, $0xA;
	s2 =	sadd.s32 s3, s2  }
0x8d: {  	s2 =	sadd.s32 s2, s17  }
0x8e: {  	[smem:$0x3FC6] =	sst s2  }
0x8f: {  	_ = 	snop  }
0x90: {  	s2 =	sld [smem:$0x3FD0];
	(tm) =	ssettm $0x1  }
0x91: {  	s18 =	sld [smem:$0x3FFB];
	_ =	sdelay $0x3  }
0x92: {  	_ =	strace s18  }
0x93: {  	s3 =	sld [smem:$0x3FFC];
	_ =	sdelay $0x3  }
0x94: {  	_ =	strace s3  }
0x95: {  	s3 =	sld [smem:$0x3FFD];
	_ =	sdelay $0x3  }
0x96: {  	_ =	strace s3  }
0x97: {  	_ =	strace $0x8FFFFFFF  }
0x98: {  	s19 =	sld [smem:$0x3FDB];
	_ =	sdelay $0x1  }
0x99: {  	s4 =	simm.s32 $_scs_section_size  }
0x9a: {  	s5 =	simm.s32 $_size__tile_overlayer_lowered;
	s6 =	simm.s32 $_tile_overlayer_lowered  }
0x9b: {  	s22 =	simm.s32 $0x1BFF;
	s21 =	sshll.u32 s6, $0x1;
	s3 =	sadd.s32 s4, s19  }
0x9c: {  	s7 =	simm.s32 $0x0;
	s20 =	sshll.u32 s5, $0x1;
	s5 =	sadd.s32 s21, s3  }
0x9d: {  	[timem:s7], [sflag:s22] =	dma.local [hbm:s5], s20  }
0x9e: {  	_ =	swait.ge [sflag:s22], s20  }
0x9f: {  	s4 =	ssub.s32 $0x0, s20;
	[sflag:s22] =	ssyncset.done $0x0  }
0xa0: {  	[sflag:s22] =	ssyncadd.s32 s4;
	_ =	sdelay $0x1  }
0xa1: {  	s23 =	simm.s32 $0x1B8B  }
0xa2: {  	_ =	swait.ge [sflag:s23], $0x1  }
0xa3: {  	[sflag:s23] =	ssyncset.done $0x0  }
0xa4: {  	s25 =	simm.s32 $0x1B8E;
	s24 =	sld [smem:$0x3FFE];
	[sflag:s23] =	ssyncadd.s32 $0xFFFFFFFF  }
0xa5: {  	s26 =	simm.s32 $execute0_lowered;
	[smem:$0x3FD2] =	sst s25  }
0xa6: {  	s5 =	sshll.u32 s26, $0x1;
	_ =	strace $0x80000049;
	[dreg:$0x1] =	wrdreg $0xFFFFFFFF  }
0xa7: {  	s28 =	simm.s32 $_size_execute0_lowered;
	s3 =	sadd.s32 s3, s5;
	[dreg:$0x0] =	wrdreg $0x0  }
0xa8: {  	s5 =	sshll.u32 s28, $0x1;
	[dreg:$0x2] =	wrdreg s3  }
0xa9: {  	[dreg:$0x3] =	wrdreg s5  }
0xaa: {  	[dreg:$0x4] =	wrdreg $0xC0  }
0xab: {  	_ =	task [dreg:s7], $0x5FFFF  }
0xac: {  	[dreg:$0x1] =	wrdreg $0xFFFFFFFF  }
0xad: {  	[dreg:$0x0] =	wrdreg $0x60  }
0xae: {  	[dreg:$0x2] =	wrdreg s24  }
0xaf: {  	[dreg:$0x3] =	wrdreg s2  }
0xb0: {  	[dreg:$0x4] =	wrdreg $0x82000  }
0xb1: {  	[dreg:$0x5] =	wrdreg $0x9  }
0xb2: {  	_ =	task.clear_ibuf [dreg:s7], $0x6FFFF;
	_ =	strace $0x90000049  }
0xb3: {  	s29 =	simm.s32 $0x9;
	_ =	strace $0x8000004B  }
0xb4: {  	_ =	swait.ge [sflag:s29], $0x1  }
0xb5: {  	[sflag:s29] =	ssyncadd.s32 $0xFFFFFFFF  }
0xb6: {  	_ =	strace $0x9000004B  }
0xb7: {  	_ =	sfence  }
0xb8: {  	s30 =	sld [smem:$0x0];
	_ =	sdelay $0x2  }
0xb9: {  	s31 =	sshll.u32 s1, $0xD;
	s1 =	sshrl.u32 s1, $0x2  }
0xba: {  	s3 =	sand.u32 $0x4000, s31;
	s1 =	sadd.s32 s1, s30  }
0xbb: {  	s0 =	sor.u32 s3, s0;
	s1 =	sshll.u32 s1, $0x11  }
0xbc: {  	s0 =	sor.u32 s1, s0  }
0xbd: {  	s0 =	sadd.s32 $0x8F2B, s0  }
0xbe: {  	[sflag:s0] =	ssyncadd.remote.s32 $0x1  }
0xbf: {  	_ =	sfence.sel $0xFFFF  }
0xc0: {  	[dreg:$0x0] =	wrdreg $0xFFFFFFFF;
	(pc) =	sbr.abs _section_cstart, $3  }
0xc1: {  	[dreg:$0x1] =	wrdreg $0xFFFFFFFF  }
0xc2: {  	_ =	task.clear_ibuf [dreg:s7], $0x2FFFF;
	_ =	strace $0x9FFFFFFF  }
0xc3: {  	(tm) =	ssettm $0x7FFFFFFF  }
tec
execute0_lowered:
.L_overlay_start_1:
0x0: {  	(tag) =	ssettag $0x1  }
0x1: {  	s5 =	rddreg [dreg:$0x0]  }
0x2: {  	s8 =	rddreg [dreg:$0x1]  }
0x3: {  	s2 =	rddreg [dreg:$0x2]  }
0x4: {  	s0 =	rddreg [dreg:$0x3]  }
0x5: {  	s4 =	srdreg.scid;
	s1 =	stileid.u32  }
0x6: {  	s3 =	simm.s32 $0x0;
	s14 =	simm.s32 $0x180;
	s15 =	simm.s32 $0x4200  }
0x7: {  	s16 =	simm.s32 $0x1;
	s17 =	simm.s32 $0x100;
	s7 =	smul.u32 $0x13C00, s1  }
0x8: {  	s18 =	simm.s32 $0x2;
	s19 =	simm.s32 $0x0;
	s11 =	smul.u32 $0x4F000, s1  }
0x9: {  	s6 =	sand.u32 $0x1, s4;
	[smem:$0x7FF] =	sst s3;
	s29 =	smul.u32 $0x1400, s1  }
0xa: {  	s30 =	sshll.u32 s1, $0x6;
	s4 =	smul.u32 $0x13C000, s6;
	_ =	strace $0x8000004A  }
0xb: {  	s10 =	ssub.s32 $0x2, s6;
	s13 =	smul.u32 $0xA00, s6;
	s6 =	sor.u32 $0x1C03, s30  }
0xc: {  	s12 =	sshrl.u32 s10, $0x1;
	s26 =	sshrl.u32 s11, $0x2;
	s28 =	sshrl.u32 s7, $0x3  }
0xd: {  	s31 =	sadd.s32 s29, s8;
	s9 =	sadd.s32 s7, s4;
	s4 =	sadd.s32 $0x5F000, s5  }
0xe: {  	s10 =	ssub.s32 s10, s12;
	s11 =	sadd.s32 s26, s2;
	s12 =	simm.s32 $0x80  }
0xf: {  	s9 =	sshrl.u32 s9, $0x3;
	s8 =	smax.u32 s10, $0x1;
	s10 =	sshrl.u32 s11, $0x3  }
0x10: {  	s11 =	simm.s32 $0x3;
	s9 =	sadd.s32 s9, s5;
	s5 =	sadd.s32 s4, s28  }
0x11: {  	s7 =	sadd.s32 $0x86800, s9;
	s9 =	sadd.s32 s13, s31;
	s13 =	simm.s32 $0x200  }
.LBB2_1:
0x12: {  	[spmem:s10], [sflag:s6] =	dma.local [hbm:s5], $0x2780  }
0x13: {  	_ =	swait.ge [sflag:s11], $0x2780  }
0x14: {  	[sflag:s11] =	ssyncset.done $0x0  }
0x15: {  	[sflag:s11] =	ssyncadd.s32 $0xFFFFD880  }
0x16: {  	s20 =	sadd.s32 $0x0, s9;
	[bflag:$0x0] =	sbarrier.arrive $0xFFFF  }
0x17: {  	[tilespmem:s3], [sflag:$0x3] =	stream.linear.gather [hbm4b:s20+s3], $0x200, $0x38;
	[tilespmem:$0x1BE00] =	vst v63  }
0x18: {  	_ =	swait.ge [sflag:s11], $0x200  }
0x19: {  	[sflag:s11] =	ssyncset.done $0x0  }
0x1a: {  	[sflag:s11] =	ssyncadd.s32 $0xFFFFFE00  }
0x1b: {  	[tilespmem:s13], [sflag:$0x1] =	stream.indirect.gather [hbm4b:s4+s12], $0x80, s12, s12, $0xb8;
	[tilespmem:$0x1BE00] =	vst v63  }
0x1c: {  	_ = 	snop  }
0x1d: {  	[tilespmem:s15], [sflag:$0x1] =	stream.indirect.gather [hbm4b:s4+s12], $0x80, s14, s12, $0xb8;
	[tilespmem:$0x1BE00] =	vst v63  }
0x1e: {  	_ =	swait.ge [sflag:s16], $0x4000  }
0x1f: {  	[sflag:s16] =	ssyncset.done $0x0  }
0x20: {  	[sflag:s16] =	ssyncadd.s32 $0xFFFFC000  }
0x21: {  	[spmem:s2] =	stream.indirect.scatter.add.f32 [tilespmem:s13], [sflag:$0x2], $0x80, s3, s12, $0xb8;
	[tilespmem:$0x1BE00] =	vst v63  }
0x22: {  	_ =	swait.ge [sflag:s16], $0x4000  }
0x23: {  	[sflag:s16] =	ssyncset.done $0x0  }
0x24: {  	[sflag:s16] =	ssyncadd.s32 $0xFFFFC000  }
0x25: {  	[spmem:s2] =	stream.indirect.scatter.add.f32 [tilespmem:s15], [sflag:$0x2], $0x80, s17, s12, $0xb8;
	[tilespmem:$0x1BE00] =	vst v63  }
0x26: {  	_ =	swait.ge [sflag:s18], $0x4000  }
0x27: {  	[sflag:s18] =	ssyncset.done $0x0  }
0x28: {  	[sflag:s18] =	ssyncadd.s32 $0xFFFFC000  }
0x29: {  	_ =	swait.ge [sflag:s18], $0x4000  }
0x2a: {  	s21 =	simm.s32 $0x80;
	s20 =	simm.s32 $0x40;
	[sflag:s18] =	ssyncset.done $0x0  }
.LBB2_2:
0x2b: {  	s22 =	sadd.s32 s20, s9  }
0x2c: {  	[sflag:s18] =	ssyncadd.s32 $0xFFFFC000;
	s20 =	smov.u32 s21;
	s23 =	sadd.s32 $0x40, s21  }
0x2d: {  	[tilespmem:s3], [sflag:$0x3] =	stream.linear.gather [hbm4b:s22+s3], $0x200, $0x38;
	[tilespmem:$0x1BE00] =	vst v63  }
0x2e: {  	p0 =	sne.s32 s21, $0x9C0;
	_ =	swait.ge [sflag:s11], $0x200  }
0x2f: {  	[sflag:s11] =	ssyncset.done $0x0  }
0x30: {  	[sflag:s11] =	ssyncadd.s32 $0xFFFFFE00  }
0x31: {  	[tilespmem:s13], [sflag:$0x1] =	stream.indirect.gather [hbm4b:s4+s12], $0x80, s12, s12, $0xb8;
	[tilespmem:$0x1BE00] =	vst v63  }
0x32: {  	_ = 	snop  }
0x33: {  	[tilespmem:s15], [sflag:$0x1] =	stream.indirect.gather [hbm4b:s4+s12], $0x80, s14, s12, $0xb8;
	[tilespmem:$0x1BE00] =	vst v63  }
0x34: {  	_ =	swait.ge [sflag:s16], $0x4000  }
0x35: {  	[sflag:s16] =	ssyncset.done $0x0  }
0x36: {  	[sflag:s16] =	ssyncadd.s32 $0xFFFFC000  }
0x37: {  	[spmem:s2] =	stream.indirect.scatter.add.f32 [tilespmem:s13], [sflag:$0x2], $0x80, s3, s12, $0xb8;
	[tilespmem:$0x1BE00] =	vst v63  }
0x38: {  	_ =	swait.ge [sflag:s16], $0x4000  }
0x39: {  	[sflag:s16] =	ssyncset.done $0x0  }
0x3a: {  	[sflag:s16] =	ssyncadd.s32 $0xFFFFC000  }
0x3b: {  	[spmem:s2] =	stream.indirect.scatter.add.f32 [tilespmem:s15], [sflag:$0x2], $0x80, s17, s12, $0xb8;
	[tilespmem:$0x1BE00] =	vst v63  }
.Ltmp0:
0x3c: {  	_ =	swait.ge [sflag:s18], $0x4000;
	(pc) =	sbr.rel @p0 .LBB2_2-.Ltmp0, $4  }
0x3d: {  	[sflag:s18] =	ssyncset.done $0x0  }
0x3e: {  	[sflag:s18] =	ssyncadd.s32 $0xFFFFC000  }
0x3f: {  	_ =	swait.ge [sflag:s18], $0x4000  }
0x40: {  	s21 =	smov.u32 s23;
	[sflag:s18] =	ssyncset.done $0x0  }
0x41: {  	s20 =	sadd.s32 s20, s9;
	[sflag:s18] =	ssyncadd.s32 $0xFFFFC000  }
0x42: {  	[tilespmem:s3], [sflag:$0x3] =	stream.linear.gather [hbm4b:s20+s3], $0x200, $0x38;
	[tilespmem:$0x1BE00] =	vst v63  }
0x43: {  	_ =	swait.ge [sflag:s11], $0x200  }
0x44: {  	[sflag:s11] =	ssyncset.done $0x0  }
0x45: {  	[sflag:s11] =	ssyncadd.s32 $0xFFFFFE00  }
0x46: {  	[tilespmem:s13], [sflag:$0x1] =	stream.indirect.gather [hbm4b:s4+s12], $0x80, s12, s12, $0xb8;
	[tilespmem:$0x1BE00] =	vst v63  }
0x47: {  	_ = 	snop  }
0x48: {  	[tilespmem:s15], [sflag:$0x1] =	stream.indirect.gather [hbm4b:s4+s12], $0x80, s14, s12, $0xb8;
	[tilespmem:$0x1BE00] =	vst v63  }
0x49: {  	_ =	swait.ge [sflag:s16], $0x4000  }
0x4a: {  	[sflag:s16] =	ssyncset.done $0x0  }
0x4b: {  	[sflag:s16] =	ssyncadd.s32 $0xFFFFC000  }
0x4c: {  	[spmem:s2] =	stream.indirect.scatter.add.f32 [tilespmem:s13], [sflag:$0x2], $0x80, s3, s12, $0xb8;
	[tilespmem:$0x1BE00] =	vst v63  }
0x4d: {  	_ =	swait.ge [sflag:s16], $0x4000  }
0x4e: {  	[sflag:s16] =	ssyncset.done $0x0  }
0x4f: {  	[sflag:s16] =	ssyncadd.s32 $0xFFFFC000  }
0x50: {  	[spmem:s2] =	stream.indirect.scatter.add.f32 [tilespmem:s15], [sflag:$0x2], $0x80, s17, s12, $0xb8;
	[tilespmem:$0x1BE00] =	vst v63  }
0x51: {  	_ =	swait.ge [sflag:s18], $0x4000  }
0x52: {  	[sflag:s18] =	ssyncset.done $0x0  }
0x53: {  	[sflag:s18] =	ssyncadd.s32 $0xFFFFC000  }
0x54: {  	_ =	swait.ge [sflag:s18], $0x4000  }
0x55: {  	s19 =	sadd.s32 $0x1, s19;
	[sflag:s18] =	ssyncset.done $0x0  }
0x56: {  	p0 =	sne.s32 s19, s8;
	[sflag:s18] =	ssyncadd.s32 $0xFFFFC000  }
.Ltmp1:
0x57: {  	[bflag:$0x0] =	sbarrier.arrive $0xFFFF;
	(pc) =	sbr.rel @p0 .LBB2_1-.Ltmp1, $4  }
0x58: {  	[hbm:s7], [sflag:s6] =	dma.local [spmem:s10], $0x2780  }
0x59: {  	_ =	swait.ge [sflag:s11], $0x2780  }
0x5a: {  	[sflag:s11] =	ssyncset.done $0x0  }
0x5b: {  	[sflag:s11] =	ssyncadd.s32 $0xFFFFD880  }
0x5c: {  	_ =	sfence.sel $0x180000  }
0x5d: {  	[bflag:$0x0] =	sbarrier.arrive $0xFFFF  }
0x5e: {  	p0 =	sne.s32 s1, $0x0;
	_ =	strace $0x9000004A  }
0x5f: {  	s0 =	sadd.s32 @!p0 $0x100000, s0;
	[bflag:$0x2] =	sbarrier.arrive $0xFFFF  }
0x60: {  	[sflag:s0] =	ssyncadd.tile.s32 @!p0 $0x1;
	_ =	shalt  }
.Lfunc_end2:
_tile_overlayer_lowered:
.L_overlay_start_2:
0x61: {  	(tag) =	ssettag $0x2  }
0x62: {  	s0 =	rddreg [dreg:$0x0];
	s2 =	stileid.u32  }
0x63: {  	s1 =	rddreg [dreg:$0x1];
	p0 =	sne.s32 s2, $0x0  }
0x64: {  	s3 =	rddreg [dreg:$0x2];
	[bflag:$0x3] =	sbarrier.arrive $0xFFFF;
	s2 =	simm.s32 @!p0 $0x1C03  }
0x65: {  	[timem:s3], [sflag:s2] =	dma.local @!p0 [hbm:s0], s1  }
0x66: {  	s0 =	simm.s32 @!p0 $0x3  }
0x67: {  	_ =	swait.ge @!p0 [sflag:s0], s1  }
0x68: {  	s1 =	ssub.s32 @!p0 $0x0, s1;
	[sflag:s0] =	ssyncset.done @!p0 $0x0  }
0x69: {  	[sflag:s0] =	ssyncadd.s32 @!p0 s1  }
0x6a: {  	[bflag:$0x3] =	sbarrier.arrive $0xFFFF  }
0x6b: {  	_ =	shalt  }

// kernel: kernel.14.cloned.1.call-start
scs
__scs_entry_jumppad:
0x0: {  	(pc) =	sbr.rel $0x88, $3  }
0x1: {  	(tag) =	ssettag $0x0;
	lr =	simm.s32 $0x1  }
0x2: {  	[smem:$0x3F9F] =	sst lr;
	_ =	strace $0xD0000000  }
0x3: {  	_ = 	snop  }
0x4: {  	_ = 	snop  }
0x5: {  	_ = 	snop  }
0x6: {  	_ = 	snop  }
0x7: {  	_ = 	snop  }
__scs_overlays_trampoline_lowered:
0x8: {  	[smem:$0x3FAE] =	sst s0  }
0x9: {  	[smem:$0x3FAF] =	sst s1  }
0xa: {  	[smem:$0x3FB0] =	sst s2  }
0xb: {  	[smem:$0x3FB1] =	sst s3  }
0xc: {  	[smem:$0x3FB2] =	sst s4  }
0xd: {  	[smem:$0x3FB3] =	sst s5  }
0xe: {  	[smem:$0x3FB4] =	sst s6  }
0xf: {  	[smem:$0x3FB5] =	sst s7  }
0x10: {  	[smem:$0x3FB6] =	sst s8  }
0x11: {  	[smem:$0x3FB7] =	sst s9;
	s0 =	simm.s32 @!p0 $0x0  }
0x12: {  	s1 =	sld [smem:$0x3F9D];
	s0 =	simm.s32 @p0 $0x1  }
0x13: {  	[smem:$0x3FB8] =	sst s0;
	s0 =	simm.s32 @!p1 $0x0  }
0x14: {  	s2 =	sld [smem:$0x3F9C];
	s0 =	simm.s32 @p1 $0x1  }
0x15: {  	[smem:$0x3FB9] =	sst s0;
	s0 =	simm.s32 @!p2 $0x0  }
0x16: {  	s3 =	sld [smem:$0x3FDB];
	s0 =	simm.s32 @p2 $0x1  }
0x17: {  	s4 =	simm.s32 $0x1BF5;
	[smem:$0x3FBB] =	sst s0  }
0x18: {  	s0 =	sld [smem:$0x3F9E];
	_ =	swait.ge [sflag:s4], $0x0  }
0x19: {  	s7 =	sld [smem:$0x3F9F]  }
0x1a: {  	s8 =	sadd.s32 $0xFFFFE003, lr  }
0x1b: {  	s9 =	sadd.s32 $0xFFFFFEF7, lr;
	s5 =	simm.s32 $0xFFFFFFFF;
	p2 =	slt.u32 s8, $0xFFFFF086  }
0x1c: {  	p1 =	slt.u32 s9, $0xF7A;
	s5 =	simm.s32 @!p2 $0x0  }
0x1d: {  	s5 =	simm.s32 @p1 $0x1;
	p0 =	seq.s32 s7, s2  }
0x1e: {  	s7 =	smul.u32 @!p0 $0xF7A, s2;
	p2 =	seq.s32 @!p0 s5, $0x0  }
0x1f: {  	s9 =	smul.u32 $0xF7A, s1;
	s8 =	simm.s32 @!p0 $0x1BF5;
	p2 =	por !p2, p0  }
0x20: {  	[sflag:s8] =	ssyncset.s32 @!p0 $0xFFFFF086;
	s6 =	sadd.s32 @!p0 s3, s7;
	s7 =	simm.s32 @!p0 $0x108  }
0x21: {  	s3 =	sadd.s32 s3, s9;
	s6 =	sadd.s32 @!p0 $0x88, s6;
	s7 =	simm.s32 @p2 $0x1082  }
0x22: {  	[simem:s7], [sflag:s8] =	dma.local @!p0 [hbm:s6], $0xF7A  }
0x23: {  	s9 =	sor.u32 $0xD0000000, s2;
	s6 =	simm.s32 $0x108;
	_ =	swait.ge @!p0 [sflag:s8], $0x0  }
0x24: {  	s3 =	sadd.s32 $0x88, s3;
	s6 =	simm.s32 @!p1 $0x1082;
	[sflag:s4] =	ssyncset.s32 $0xFFFFF086  }
0x25: {  	[simem:s6], [sflag:s4] =	dma.local [hbm:s3], $0xF7A  }
0x26: {  	[smem:$0x3F9F] =	sst s1;
	(tag) =	ssettag s2;
	_ =	strace s9  }
0x27: {  	s1 =	sld [smem:$0x3FAF]  }
0x28: {  	s2 =	sld [smem:$0x3FB0]  }
0x29: {  	s4 =	sld [smem:$0x3FB2]  }
0x2a: {  	p0 =	seq.s32 s5, $0x0;
	s5 =	sld [smem:$0x3FB3]  }
0x2b: {  	s6 =	sld [smem:$0x3FB4]  }
0x2c: {  	s7 =	sld [smem:$0x3FB5]  }
0x2d: {  	s3 =	simm.s32 $0x108;
	s8 =	sld [smem:$0x3FB6]  }
0x2e: {  	s3 =	simm.s32 @!p0 $0x1082;
	s9 =	sld [smem:$0x3FB7]  }
0x2f: {  	lr =	sadd.s32 s0, s3;
	s0 =	sld [smem:$0x3FAE]  }
0x30: {  	s3 =	sld [smem:$0x3FB1]  }
0x31: {  	[smem:$0x3FBA] =	sst s10  }
0x32: {  	s10 =	sld [smem:$0x3FB8];
	_ =	sdelay $0x3  }
0x33: {  	p0 =	seq.s32 s10, $0x1;
	s10 =	sld [smem:$0x3FBA];
	_ =	sdelay $0x3  }
0x34: {  	[smem:$0x3FBA] =	sst s10  }
0x35: {  	s10 =	sld [smem:$0x3FB9];
	_ =	sdelay $0x3  }
0x36: {  	p1 =	seq.s32 s10, $0x1;
	s10 =	sld [smem:$0x3FBA];
	_ =	sdelay $0x3  }
0x37: {  	[smem:$0x3FBA] =	sst s10  }
0x38: {  	s10 =	sld [smem:$0x3FBB]  }
0x39: {  	_ = 	snop;
	(pc) =	sbr.ind lr, $3  }
0x3a: {  	_ = 	snop  }
0x3b: {  	_ = 	snop  }
0x3c: {  	p2 =	seq.s32 s10, $0x1;
	s10 =	sld [smem:$0x3FBA]  }
0x3d: {  	_ =	shalt  }
0x3e: {  	_ =	shalt  }
0x3f: {  	_ =	shalt  }
0x40: {  	_ =	shalt  }
0x41: {  	_ =	shalt  }
0x42: {  	_ =	shalt  }
0x43: {  	_ =	shalt  }
0x44: {  	_ =	shalt  }
0x45: {  	_ =	shalt  }
0x46: {  	_ =	shalt  }
0x47: {  	_ =	shalt  }
0x48: {  	_ =	shalt  }
0x49: {  	_ =	shalt  }
0x4a: {  	_ =	shalt  }
0x4b: {  	_ =	shalt  }
0x4c: {  	_ =	shalt  }
0x4d: {  	_ =	shalt  }
0x4e: {  	_ =	shalt  }
0x4f: {  	_ =	shalt  }
0x50: {  	_ =	shalt  }
0x51: {  	_ =	shalt  }
0x52: {  	_ =	shalt  }
0x53: {  	_ =	shalt  }
0x54: {  	_ =	shalt  }
0x55: {  	_ =	shalt  }
0x56: {  	_ =	shalt  }
0x57: {  	_ =	shalt  }
0x58: {  	_ =	shalt  }
0x59: {  	_ =	shalt  }
0x5a: {  	_ =	shalt  }
0x5b: {  	_ =	shalt  }
0x5c: {  	_ =	shalt  }
0x5d: {  	_ =	shalt  }
0x5e: {  	_ =	shalt  }
0x5f: {  	_ =	shalt  }
0x60: {  	_ =	shalt  }
0x61: {  	_ =	shalt  }
0x62: {  	_ =	shalt  }
0x63: {  	_ =	shalt  }
0x64: {  	_ =	shalt  }
0x65: {  	_ =	shalt  }
0x66: {  	_ =	shalt  }
0x67: {  	_ =	shalt  }
0x68: {  	_ =	shalt  }
0x69: {  	_ =	shalt  }
0x6a: {  	_ =	shalt  }
0x6b: {  	_ =	shalt  }
0x6c: {  	_ =	shalt  }
0x6d: {  	_ =	shalt  }
0x6e: {  	_ =	shalt  }
0x6f: {  	_ =	shalt  }
0x70: {  	_ =	shalt  }
0x71: {  	_ =	shalt  }
0x72: {  	_ =	shalt  }
0x73: {  	_ =	shalt  }
0x74: {  	_ =	shalt  }
0x75: {  	_ =	shalt  }
0x76: {  	_ =	shalt  }
0x77: {  	_ =	shalt  }
0x78: {  	_ =	shalt  }
0x79: {  	_ =	shalt  }
0x7a: {  	_ =	shalt  }
0x7b: {  	_ =	shalt  }
0x7c: {  	_ =	shalt  }
0x7d: {  	_ =	shalt  }
0x7e: {  	_ =	shalt  }
0x7f: {  	_ =	shalt  }
0x80: {  	_ =	shalt  }
0x81: {  	_ =	shalt  }
0x82: {  	_ =	shalt  }
0x83: {  	_ =	shalt  }
0x84: {  	_ =	shalt  }
0x85: {  	_ =	shalt  }
0x86: {  	_ =	shalt  }
0x87: {  	_ =	shalt  }
.Lfunc_end0:
.L_simem_size_0:
called_computation.2_lowered:
.L_overlay_start_0:
0x88: {  	s2 =	sld [smem:$0x3FD9]  }
0x89: {  	s3 =	sld [smem:$0x3FFE];
	_ =	sdelay $0x1  }
0x8a: {  	s1 =	srdreg.scid  }
0x8b: {  	s0 =	sand.u32 $0x1, s1  }
0x8c: {  	s17 =	sshll.u32 s0, $0xA;
	s2 =	sadd.s32 s3, s2  }
0x8d: {  	s2 =	sadd.s32 s2, s17  }
0x8e: {  	[smem:$0x3FC6] =	sst s2  }
0x8f: {  	_ = 	snop  }
0x90: {  	s2 =	sld [smem:$0x3FD0];
	(tm) =	ssettm $0x1  }
0x91: {  	s18 =	sld [smem:$0x3FFB];
	_ =	sdelay $0x3  }
0x92: {  	_ =	strace s18  }
0x93: {  	s3 =	sld [smem:$0x3FFC];
	_ =	sdelay $0x3  }
0x94: {  	_ =	strace s3  }
0x95: {  	s3 =	sld [smem:$0x3FFD];
	_ =	sdelay $0x3  }
0x96: {  	_ =	strace s3  }
0x97: {  	_ =	strace $0x8FFFFFFF  }
0x98: {  	s19 =	sld [smem:$0x3FDB];
	_ =	sdelay $0x1  }
0x99: {  	s4 =	simm.s32 $_scs_section_size  }
0x9a: {  	s5 =	simm.s32 $_size__tile_overlayer_lowered;
	s6 =	simm.s32 $_tile_overlayer_lowered  }
0x9b: {  	s22 =	simm.s32 $0x1BFF;
	s21 =	sshll.u32 s6, $0x1;
	s3 =	sadd.s32 s4, s19  }
0x9c: {  	s7 =	simm.s32 $0x0;
	s20 =	sshll.u32 s5, $0x1;
	s5 =	sadd.s32 s21, s3  }
0x9d: {  	[timem:s7], [sflag:s22] =	dma.local [hbm:s5], s20  }
0x9e: {  	_ =	swait.ge [sflag:s22], s20  }
0x9f: {  	s4 =	ssub.s32 $0x0, s20;
	[sflag:s22] =	ssyncset.done $0x0  }
0xa0: {  	[sflag:s22] =	ssyncadd.s32 s4;
	_ =	sdelay $0x1  }
0xa1: {  	s23 =	simm.s32 $0x1B8B  }
0xa2: {  	_ =	swait.ge [sflag:s23], $0x1  }
0xa3: {  	[sflag:s23] =	ssyncset.done $0x0  }
0xa4: {  	s25 =	simm.s32 $0x1B8E;
	s24 =	sld [smem:$0x3FFE];
	[sflag:s23] =	ssyncadd.s32 $0xFFFFFFFF  }
0xa5: {  	s26 =	simm.s32 $execute0_lowered;
	[smem:$0x3FD2] =	sst s25  }
0xa6: {  	s5 =	sshll.u32 s26, $0x1;
	_ =	strace $0x8000004C;
	[dreg:$0x1] =	wrdreg $0xFFFFFFFF  }
0xa7: {  	s28 =	simm.s32 $_size_execute0_lowered;
	s3 =	sadd.s32 s3, s5;
	[dreg:$0x0] =	wrdreg $0x0  }
0xa8: {  	s5 =	sshll.u32 s28, $0x1;
	[dreg:$0x2] =	wrdreg s3  }
0xa9: {  	[dreg:$0x3] =	wrdreg s5  }
0xaa: {  	[dreg:$0x4] =	wrdreg $0xC0  }
0xab: {  	_ =	task [dreg:s7], $0x5FFFF  }
0xac: {  	[dreg:$0x1] =	wrdreg $0xFFFFFFFF  }
0xad: {  	[dreg:$0x0] =	wrdreg $0x60  }
0xae: {  	[dreg:$0x2] =	wrdreg s24  }
0xaf: {  	[dreg:$0x3] =	wrdreg s2  }
0xb0: {  	[dreg:$0x4] =	wrdreg $0x82000  }
0xb1: {  	[dreg:$0x5] =	wrdreg $0x9  }
0xb2: {  	_ =	task.clear_ibuf [dreg:s7], $0x6FFFF;
	_ =	strace $0x9000004C  }
0xb3: {  	s29 =	simm.s32 $0x9;
	_ =	strace $0x8000004E  }
0xb4: {  	_ =	swait.ge [sflag:s29], $0x1  }
0xb5: {  	[sflag:s29] =	ssyncadd.s32 $0xFFFFFFFF  }
0xb6: {  	_ =	strace $0x9000004E  }
0xb7: {  	_ =	sfence  }
0xb8: {  	s30 =	sld [smem:$0x0];
	_ =	sdelay $0x2  }
0xb9: {  	s31 =	sshll.u32 s1, $0xD;
	s1 =	sshrl.u32 s1, $0x2  }
0xba: {  	s3 =	sand.u32 $0x4000, s31;
	s1 =	sadd.s32 s1, s30  }
0xbb: {  	s0 =	sor.u32 s3, s0;
	s1 =	sshll.u32 s1, $0x11  }
0xbc: {  	s0 =	sor.u32 s1, s0  }
0xbd: {  	s0 =	sadd.s32 $0x8F2B, s0  }
0xbe: {  	[sflag:s0] =	ssyncadd.remote.s32 $0x1  }
0xbf: {  	_ =	sfence.sel $0xFFFF  }
0xc0: {  	[dreg:$0x0] =	wrdreg $0xFFFFFFFF;
	(pc) =	sbr.abs _section_cstart, $3  }
0xc1: {  	[dreg:$0x1] =	wrdreg $0xFFFFFFFF  }
0xc2: {  	_ =	task.clear_ibuf [dreg:s7], $0x2FFFF;
	_ =	strace $0x9FFFFFFF  }
0xc3: {  	(tm) =	ssettm $0x7FFFFFFF  }
tec
execute0_lowered:
.L_overlay_start_1:
0x0: {  	(tag) =	ssettag $0x1  }
0x1: {  	s5 =	rddreg [dreg:$0x0]  }
0x2: {  	s8 =	rddreg [dreg:$0x1]  }
0x3: {  	s2 =	rddreg [dreg:$0x2]  }
0x4: {  	s0 =	rddreg [dreg:$0x3]  }
0x5: {  	s4 =	srdreg.scid;
	s1 =	stileid.u32  }
0x6: {  	s3 =	simm.s32 $0x0;
	s14 =	simm.s32 $0x180;
	s15 =	simm.s32 $0x4200  }
0x7: {  	s16 =	simm.s32 $0x1;
	s17 =	simm.s32 $0x100;
	s7 =	smul.u32 $0x13C00, s1  }
0x8: {  	s18 =	simm.s32 $0x2;
	s19 =	simm.s32 $0x0;
	s11 =	smul.u32 $0x4F000, s1  }
0x9: {  	s6 =	sand.u32 $0x1, s4;
	[smem:$0x7FF] =	sst s3;
	s29 =	smul.u32 $0x1400, s1  }
0xa: {  	s30 =	sshll.u32 s1, $0x6;
	s4 =	smul.u32 $0x13C000, s6;
	_ =	strace $0x8000004D  }
0xb: {  	s10 =	ssub.s32 $0x2, s6;
	s13 =	smul.u32 $0xA00, s6;
	s6 =	sor.u32 $0x1C03, s30  }
0xc: {  	s12 =	sshrl.u32 s10, $0x1;
	s26 =	sshrl.u32 s11, $0x2;
	s28 =	sshrl.u32 s7, $0x3  }
0xd: {  	s31 =	sadd.s32 s29, s8;
	s9 =	sadd.s32 s7, s4;
	s4 =	sadd.s32 $0x5F000, s5  }
0xe: {  	s10 =	ssub.s32 s10, s12;
	s11 =	sadd.s32 s26, s2;
	s12 =	simm.s32 $0x80  }
0xf: {  	s9 =	sshrl.u32 s9, $0x3;
	s8 =	smax.u32 s10, $0x1;
	s10 =	sshrl.u32 s11, $0x3  }
0x10: {  	s11 =	simm.s32 $0x3;
	s9 =	sadd.s32 s9, s5;
	s5 =	sadd.s32 s4, s28  }
0x11: {  	s7 =	sadd.s32 $0x86800, s9;
	s9 =	sadd.s32 s13, s31;
	s13 =	simm.s32 $0x200  }
.LBB2_1:
0x12: {  	[spmem:s10], [sflag:s6] =	dma.local [hbm:s5], $0x2780  }
0x13: {  	_ =	swait.ge [sflag:s11], $0x2780  }
0x14: {  	[sflag:s11] =	ssyncset.done $0x0  }
0x15: {  	[sflag:s11] =	ssyncadd.s32 $0xFFFFD880  }
0x16: {  	s20 =	sadd.s32 $0x0, s9;
	[bflag:$0x0] =	sbarrier.arrive $0xFFFF  }
0x17: {  	[tilespmem:s3], [sflag:$0x3] =	stream.linear.gather [hbm4b:s20+s3], $0x200, $0x38;
	[tilespmem:$0x1BE00] =	vst v63  }
0x18: {  	_ =	swait.ge [sflag:s11], $0x200  }
0x19: {  	[sflag:s11] =	ssyncset.done $0x0  }
0x1a: {  	[sflag:s11] =	ssyncadd.s32 $0xFFFFFE00  }
0x1b: {  	[tilespmem:s13], [sflag:$0x1] =	stream.indirect.gather [hbm4b:s4+s12], $0x80, s12, s12, $0xb8;
	[tilespmem:$0x1BE00] =	vst v63  }
0x1c: {  	_ = 	snop  }
0x1d: {  	[tilespmem:s15], [sflag:$0x1] =	stream.indirect.gather [hbm4b:s4+s12], $0x80, s14, s12, $0xb8;
	[tilespmem:$0x1BE00] =	vst v63  }
0x1e: {  	_ =	swait.ge [sflag:s16], $0x4000  }
0x1f: {  	[sflag:s16] =	ssyncset.done $0x0  }
0x20: {  	[sflag:s16] =	ssyncadd.s32 $0xFFFFC000  }
0x21: {  	[spmem:s2] =	stream.indirect.scatter.add.f32 [tilespmem:s13], [sflag:$0x2], $0x80, s3, s12, $0xb8;
	[tilespmem:$0x1BE00] =	vst v63  }
0x22: {  	_ =	swait.ge [sflag:s16], $0x4000  }
0x23: {  	[sflag:s16] =	ssyncset.done $0x0  }
0x24: {  	[sflag:s16] =	ssyncadd.s32 $0xFFFFC000  }
0x25: {  	[spmem:s2] =	stream.indirect.scatter.add.f32 [tilespmem:s15], [sflag:$0x2], $0x80, s17, s12, $0xb8;
	[tilespmem:$0x1BE00] =	vst v63  }
0x26: {  	_ =	swait.ge [sflag:s18], $0x4000  }
0x27: {  	[sflag:s18] =	ssyncset.done $0x0  }
0x28: {  	[sflag:s18] =	ssyncadd.s32 $0xFFFFC000  }
0x29: {  	_ =	swait.ge [sflag:s18], $0x4000  }
0x2a: {  	s21 =	simm.s32 $0x80;
	s20 =	simm.s32 $0x40;
	[sflag:s18] =	ssyncset.done $0x0  }
.LBB2_2:
0x2b: {  	s22 =	sadd.s32 s20, s9  }
0x2c: {  	[sflag:s18] =	ssyncadd.s32 $0xFFFFC000;
	s20 =	smov.u32 s21;
	s23 =	sadd.s32 $0x40, s21  }
0x2d: {  	[tilespmem:s3], [sflag:$0x3] =	stream.linear.gather [hbm4b:s22+s3], $0x200, $0x38;
	[tilespmem:$0x1BE00] =	vst v63  }
0x2e: {  	p0 =	sne.s32 s21, $0x9C0;
	_ =	swait.ge [sflag:s11], $0x200  }
0x2f: {  	[sflag:s11] =	ssyncset.done $0x0  }
0x30: {  	[sflag:s11] =	ssyncadd.s32 $0xFFFFFE00  }
0x31: {  	[tilespmem:s13], [sflag:$0x1] =	stream.indirect.gather [hbm4b:s4+s12], $0x80, s12, s12, $0xb8;
	[tilespmem:$0x1BE00] =	vst v63  }
0x32: {  	_ = 	snop  }
0x33: {  	[tilespmem:s15], [sflag:$0x1] =	stream.indirect.gather [hbm4b:s4+s12], $0x80, s14, s12, $0xb8;
	[tilespmem:$0x1BE00] =	vst v63  }
0x34: {  	_ =	swait.ge [sflag:s16], $0x4000  }
0x35: {  	[sflag:s16] =	ssyncset.done $0x0  }
0x36: {  	[sflag:s16] =	ssyncadd.s32 $0xFFFFC000  }
0x37: {  	[spmem:s2] =	stream.indirect.scatter.add.f32 [tilespmem:s13], [sflag:$0x2], $0x80, s3, s12, $0xb8;
	[tilespmem:$0x1BE00] =	vst v63  }
0x38: {  	_ =	swait.ge [sflag:s16], $0x4000  }
0x39: {  	[sflag:s16] =	ssyncset.done $0x0  }
0x3a: {  	[sflag:s16] =	ssyncadd.s32 $0xFFFFC000  }
0x3b: {  	[spmem:s2] =	stream.indirect.scatter.add.f32 [tilespmem:s15], [sflag:$0x2], $0x80, s17, s12, $0xb8;
	[tilespmem:$0x1BE00] =	vst v63  }
.Ltmp0:
0x3c: {  	_ =	swait.ge [sflag:s18], $0x4000;
	(pc) =	sbr.rel @p0 .LBB2_2-.Ltmp0, $4  }
0x3d: {  	[sflag:s18] =	ssyncset.done $0x0  }
0x3e: {  	[sflag:s18] =	ssyncadd.s32 $0xFFFFC000  }
0x3f: {  	_ =	swait.ge [sflag:s18], $0x4000  }
0x40: {  	s21 =	smov.u32 s23;
	[sflag:s18] =	ssyncset.done $0x0  }
0x41: {  	s20 =	sadd.s32 s20, s9;
	[sflag:s18] =	ssyncadd.s32 $0xFFFFC000  }
0x42: {  	[tilespmem:s3], [sflag:$0x3] =	stream.linear.gather [hbm4b:s20+s3], $0x200, $0x38;
	[tilespmem:$0x1BE00] =	vst v63  }
0x43: {  	_ =	swait.ge [sflag:s11], $0x200  }
0x44: {  	[sflag:s11] =	ssyncset.done $0x0  }
0x45: {  	[sflag:s11] =	ssyncadd.s32 $0xFFFFFE00  }
0x46: {  	[tilespmem:s13], [sflag:$0x1] =	stream.indirect.gather [hbm4b:s4+s12], $0x80, s12, s12, $0xb8;
	[tilespmem:$0x1BE00] =	vst v63  }
0x47: {  	_ = 	snop  }
0x48: {  	[tilespmem:s15], [sflag:$0x1] =	stream.indirect.gather [hbm4b:s4+s12], $0x80, s14, s12, $0xb8;
	[tilespmem:$0x1BE00] =	vst v63  }
0x49: {  	_ =	swait.ge [sflag:s16], $0x4000  }
0x4a: {  	[sflag:s16] =	ssyncset.done $0x0  }
0x4b: {  	[sflag:s16] =	ssyncadd.s32 $0xFFFFC000  }
0x4c: {  	[spmem:s2] =	stream.indirect.scatter.add.f32 [tilespmem:s13], [sflag:$0x2], $0x80, s3, s12, $0xb8;
	[tilespmem:$0x1BE00] =	vst v63  }
0x4d: {  	_ =	swait.ge [sflag:s16], $0x4000  }
0x4e: {  	[sflag:s16] =	ssyncset.done $0x0  }
0x4f: {  	[sflag:s16] =	ssyncadd.s32 $0xFFFFC000  }
0x50: {  	[spmem:s2] =	stream.indirect.scatter.add.f32 [tilespmem:s15], [sflag:$0x2], $0x80, s17, s12, $0xb8;
	[tilespmem:$0x1BE00] =	vst v63  }
0x51: {  	_ =	swait.ge [sflag:s18], $0x4000  }
0x52: {  	[sflag:s18] =	ssyncset.done $0x0  }
0x53: {  	[sflag:s18] =	ssyncadd.s32 $0xFFFFC000  }
0x54: {  	_ =	swait.ge [sflag:s18], $0x4000  }
0x55: {  	s19 =	sadd.s32 $0x1, s19;
	[sflag:s18] =	ssyncset.done $0x0  }
0x56: {  	p0 =	sne.s32 s19, s8;
	[sflag:s18] =	ssyncadd.s32 $0xFFFFC000  }
.Ltmp1:
0x57: {  	[bflag:$0x0] =	sbarrier.arrive $0xFFFF;
	(pc) =	sbr.rel @p0 .LBB2_1-.Ltmp1, $4  }
0x58: {  	[hbm:s7], [sflag:s6] =	dma.local [spmem:s10], $0x2780  }
0x59: {  	_ =	swait.ge [sflag:s11], $0x2780  }
0x5a: {  	[sflag:s11] =	ssyncset.done $0x0  }
0x5b: {  	[sflag:s11] =	ssyncadd.s32 $0xFFFFD880  }
0x5c: {  	_ =	sfence.sel $0x180000  }
0x5d: {  	[bflag:$0x0] =	sbarrier.arrive $0xFFFF  }
0x5e: {  	p0 =	sne.s32 s1, $0x0;
	_ =	strace $0x9000004D  }
0x5f: {  	s0 =	sadd.s32 @!p0 $0x100000, s0;
	[bflag:$0x2] =	sbarrier.arrive $0xFFFF  }
0x60: {  	[sflag:s0] =	ssyncadd.tile.s32 @!p0 $0x1;
	_ =	shalt  }
.Lfunc_end2:
_tile_overlayer_lowered:
.L_overlay_start_2:
0x61: {  	(tag) =	ssettag $0x2  }
0x62: {  	s0 =	rddreg [dreg:$0x0];
	s2 =	stileid.u32  }
0x63: {  	s1 =	rddreg [dreg:$0x1];
	p0 =	sne.s32 s2, $0x0  }
0x64: {  	s3 =	rddreg [dreg:$0x2];
	[bflag:$0x3] =	sbarrier.arrive $0xFFFF;
	s2 =	simm.s32 @!p0 $0x1C03  }
0x65: {  	[timem:s3], [sflag:s2] =	dma.local @!p0 [hbm:s0], s1  }
0x66: {  	s0 =	simm.s32 @!p0 $0x3  }
0x67: {  	_ =	swait.ge @!p0 [sflag:s0], s1  }
0x68: {  	s1 =	ssub.s32 @!p0 $0x0, s1;
	[sflag:s0] =	ssyncset.done @!p0 $0x0  }
0x69: {  	[sflag:s0] =	ssyncadd.s32 @!p0 s1  }
0x6a: {  	[bflag:$0x3] =	sbarrier.arrive $0xFFFF  }
0x6b: {  	_ =	shalt  }

// kernel: kernel.8.cloned.1.call-start
scs
__scs_entry_jumppad:
0x0: {  	(pc) =	sbr.rel $0x88, $3  }
0x1: {  	(tag) =	ssettag $0x0;
	lr =	simm.s32 $0x1  }
0x2: {  	[smem:$0x3F9F] =	sst lr;
	_ =	strace $0xD0000000  }
0x3: {  	_ = 	snop  }
0x4: {  	_ = 	snop  }
0x5: {  	_ = 	snop  }
0x6: {  	_ = 	snop  }
0x7: {  	_ = 	snop  }
__scs_overlays_trampoline_lowered:
0x8: {  	[smem:$0x3FAE] =	sst s0  }
0x9: {  	[smem:$0x3FAF] =	sst s1  }
0xa: {  	[smem:$0x3FB0] =	sst s2  }
0xb: {  	[smem:$0x3FB1] =	sst s3  }
0xc: {  	[smem:$0x3FB2] =	sst s4  }
0xd: {  	[smem:$0x3FB3] =	sst s5  }
0xe: {  	[smem:$0x3FB4] =	sst s6  }
0xf: {  	[smem:$0x3FB5] =	sst s7  }
0x10: {  	[smem:$0x3FB6] =	sst s8  }
0x11: {  	[smem:$0x3FB7] =	sst s9;
	s0 =	simm.s32 @!p0 $0x0  }
0x12: {  	s1 =	sld [smem:$0x3F9D];
	s0 =	simm.s32 @p0 $0x1  }
0x13: {  	[smem:$0x3FB8] =	sst s0;
	s0 =	simm.s32 @!p1 $0x0  }
0x14: {  	s2 =	sld [smem:$0x3F9C];
	s0 =	simm.s32 @p1 $0x1  }
0x15: {  	[smem:$0x3FB9] =	sst s0;
	s0 =	simm.s32 @!p2 $0x0  }
0x16: {  	s3 =	sld [smem:$0x3FDB];
	s0 =	simm.s32 @p2 $0x1  }
0x17: {  	s4 =	simm.s32 $0x1BF5;
	[smem:$0x3FBB] =	sst s0  }
0x18: {  	s0 =	sld [smem:$0x3F9E];
	_ =	swait.ge [sflag:s4], $0x0  }
0x19: {  	s7 =	sld [smem:$0x3F9F]  }
0x1a: {  	s8 =	sadd.s32 $0xFFFFE003, lr  }
0x1b: {  	s9 =	sadd.s32 $0xFFFFFEF7, lr;
	s5 =	simm.s32 $0xFFFFFFFF;
	p2 =	slt.u32 s8, $0xFFFFF086  }
0x1c: {  	p1 =	slt.u32 s9, $0xF7A;
	s5 =	simm.s32 @!p2 $0x0  }
0x1d: {  	s5 =	simm.s32 @p1 $0x1;
	p0 =	seq.s32 s7, s2  }
0x1e: {  	s7 =	smul.u32 @!p0 $0xF7A, s2;
	p2 =	seq.s32 @!p0 s5, $0x0  }
0x1f: {  	s9 =	smul.u32 $0xF7A, s1;
	s8 =	simm.s32 @!p0 $0x1BF5;
	p2 =	por !p2, p0  }
0x20: {  	[sflag:s8] =	ssyncset.s32 @!p0 $0xFFFFF086;
	s6 =	sadd.s32 @!p0 s3, s7;
	s7 =	simm.s32 @!p0 $0x108  }
0x21: {  	s3 =	sadd.s32 s3, s9;
	s6 =	sadd.s32 @!p0 $0x88, s6;
	s7 =	simm.s32 @p2 $0x1082  }
0x22: {  	[simem:s7], [sflag:s8] =	dma.local @!p0 [hbm:s6], $0xF7A  }
0x23: {  	s9 =	sor.u32 $0xD0000000, s2;
	s6 =	simm.s32 $0x108;
	_ =	swait.ge @!p0 [sflag:s8], $0x0  }
0x24: {  	s3 =	sadd.s32 $0x88, s3;
	s6 =	simm.s32 @!p1 $0x1082;
	[sflag:s4] =	ssyncset.s32 $0xFFFFF086  }
0x25: {  	[simem:s6], [sflag:s4] =	dma.local [hbm:s3], $0xF7A  }
0x26: {  	[smem:$0x3F9F] =	sst s1;
	(tag) =	ssettag s2;
	_ =	strace s9  }
0x27: {  	s1 =	sld [smem:$0x3FAF]  }
0x28: {  	s2 =	sld [smem:$0x3FB0]  }
0x29: {  	s4 =	sld [smem:$0x3FB2]  }
0x2a: {  	p0 =	seq.s32 s5, $0x0;
	s5 =	sld [smem:$0x3FB3]  }
0x2b: {  	s6 =	sld [smem:$0x3FB4]  }
0x2c: {  	s7 =	sld [smem:$0x3FB5]  }
0x2d: {  	s3 =	simm.s32 $0x108;
	s8 =	sld [smem:$0x3FB6]  }
0x2e: {  	s3 =	simm.s32 @!p0 $0x1082;
	s9 =	sld [smem:$0x3FB7]  }
0x2f: {  	lr =	sadd.s32 s0, s3;
	s0 =	sld [smem:$0x3FAE]  }
0x30: {  	s3 =	sld [smem:$0x3FB1]  }
0x31: {  	[smem:$0x3FBA] =	sst s10  }
0x32: {  	s10 =	sld [smem:$0x3FB8];
	_ =	sdelay $0x3  }
0x33: {  	p0 =	seq.s32 s10, $0x1;
	s10 =	sld [smem:$0x3FBA];
	_ =	sdelay $0x3  }
0x34: {  	[smem:$0x3FBA] =	sst s10  }
0x35: {  	s10 =	sld [smem:$0x3FB9];
	_ =	sdelay $0x3  }
0x36: {  	p1 =	seq.s32 s10, $0x1;
	s10 =	sld [smem:$0x3FBA];
	_ =	sdelay $0x3  }
0x37: {  	[smem:$0x3FBA] =	sst s10  }
0x38: {  	s10 =	sld [smem:$0x3FBB]  }
0x39: {  	_ = 	snop;
	(pc) =	sbr.ind lr, $3  }
0x3a: {  	_ = 	snop  }
0x3b: {  	_ = 	snop  }
0x3c: {  	p2 =	seq.s32 s10, $0x1;
	s10 =	sld [smem:$0x3FBA]  }
0x3d: {  	_ =	shalt  }
0x3e: {  	_ =	shalt  }
0x3f: {  	_ =	shalt  }
0x40: {  	_ =	shalt  }
0x41: {  	_ =	shalt  }
0x42: {  	_ =	shalt  }
0x43: {  	_ =	shalt  }
0x44: {  	_ =	shalt  }
0x45: {  	_ =	shalt  }
0x46: {  	_ =	shalt  }
0x47: {  	_ =	shalt  }
0x48: {  	_ =	shalt  }
0x49: {  	_ =	shalt  }
0x4a: {  	_ =	shalt  }
0x4b: {  	_ =	shalt  }
0x4c: {  	_ =	shalt  }
0x4d: {  	_ =	shalt  }
0x4e: {  	_ =	shalt  }
0x4f: {  	_ =	shalt  }
0x50: {  	_ =	shalt  }
0x51: {  	_ =	shalt  }
0x52: {  	_ =	shalt  }
0x53: {  	_ =	shalt  }
0x54: {  	_ =	shalt  }
0x55: {  	_ =	shalt  }
0x56: {  	_ =	shalt  }
0x57: {  	_ =	shalt  }
0x58: {  	_ =	shalt  }
0x59: {  	_ =	shalt  }
0x5a: {  	_ =	shalt  }
0x5b: {  	_ =	shalt  }
0x5c: {  	_ =	shalt  }
0x5d: {  	_ =	shalt  }
0x5e: {  	_ =	shalt  }
0x5f: {  	_ =	shalt  }
0x60: {  	_ =	shalt  }
0x61: {  	_ =	shalt  }
0x62: {  	_ =	shalt  }
0x63: {  	_ =	shalt  }
0x64: {  	_ =	shalt  }
0x65: {  	_ =	shalt  }
0x66: {  	_ =	shalt  }
0x67: {  	_ =	shalt  }
0x68: {  	_ =	shalt  }
0x69: {  	_ =	shalt  }
0x6a: {  	_ =	shalt  }
0x6b: {  	_ =	shalt  }
0x6c: {  	_ =	shalt  }
0x6d: {  	_ =	shalt  }
0x6e: {  	_ =	shalt  }
0x6f: {  	_ =	shalt  }
0x70: {  	_ =	shalt  }
0x71: {  	_ =	shalt  }
0x72: {  	_ =	shalt  }
0x73: {  	_ =	shalt  }
0x74: {  	_ =	shalt  }
0x75: {  	_ =	shalt  }
0x76: {  	_ =	shalt  }
0x77: {  	_ =	shalt  }
0x78: {  	_ =	shalt  }
0x79: {  	_ =	shalt  }
0x7a: {  	_ =	shalt  }
0x7b: {  	_ =	shalt  }
0x7c: {  	_ =	shalt  }
0x7d: {  	_ =	shalt  }
0x7e: {  	_ =	shalt  }
0x7f: {  	_ =	shalt  }
0x80: {  	_ =	shalt  }
0x81: {  	_ =	shalt  }
0x82: {  	_ =	shalt  }
0x83: {  	_ =	shalt  }
0x84: {  	_ =	shalt  }
0x85: {  	_ =	shalt  }
0x86: {  	_ =	shalt  }
0x87: {  	_ =	shalt  }
.Lfunc_end0:
.L_simem_size_0:
called_computation_lowered:
.L_overlay_start_0:
0x88: {  	s2 =	sld [smem:$0x3FD9]  }
0x89: {  	s3 =	sld [smem:$0x3FFE];
	_ =	sdelay $0x1  }
0x8a: {  	s1 =	srdreg.scid  }
0x8b: {  	s0 =	sand.u32 $0x1, s1  }
0x8c: {  	s16 =	sshll.u32 s0, $0xA;
	s2 =	sadd.s32 s3, s2  }
0x8d: {  	s2 =	sadd.s32 s2, s16  }
0x8e: {  	[smem:$0x3FC6] =	sst s2  }
0x8f: {  	_ = 	snop  }
0x90: {  	(tm) =	ssettm $0x1  }
0x91: {  	s17 =	sld [smem:$0x3FFB];
	_ =	sdelay $0x3  }
0x92: {  	_ =	strace s17  }
0x93: {  	s2 =	sld [smem:$0x3FFC];
	_ =	sdelay $0x3  }
0x94: {  	_ =	strace s2  }
0x95: {  	s2 =	sld [smem:$0x3FFD];
	_ =	sdelay $0x3  }
0x96: {  	_ =	strace s2  }
0x97: {  	_ =	strace $0x8FFFFFFF  }
0x98: {  	s18 =	sld [smem:$0x3FDB];
	_ =	sdelay $0x1  }
0x99: {  	s19 =	simm.s32 $_scs_section_size  }
0x9a: {  	s4 =	simm.s32 $_size__tile_overlayer_lowered;
	s5 =	simm.s32 $_tile_overlayer_lowered  }
0x9b: {  	s22 =	simm.s32 $0x1BFF;
	s21 =	sshll.u32 s5, $0x1;
	s2 =	sadd.s32 s19, s18  }
0x9c: {  	s6 =	simm.s32 $0x0;
	s20 =	sshll.u32 s4, $0x1;
	s4 =	sadd.s32 s21, s2  }
0x9d: {  	[timem:s6], [sflag:s22] =	dma.local [hbm:s4], s20  }
0x9e: {  	_ =	swait.ge [sflag:s22], s20  }
0x9f: {  	s3 =	ssub.s32 $0x0, s20;
	[sflag:s22] =	ssyncset.done $0x0  }
0xa0: {  	[sflag:s22] =	ssyncadd.s32 s3;
	_ =	sdelay $0x1  }
0xa1: {  	s23 =	simm.s32 $0x1B8B  }
0xa2: {  	_ =	swait.ge [sflag:s23], $0x1  }
0xa3: {  	[sflag:s23] =	ssyncset.done $0x0  }
0xa4: {  	s25 =	simm.s32 $0x1B8E;
	s24 =	sld [smem:$0x3FFE];
	[sflag:s23] =	ssyncadd.s32 $0xFFFFFFFF  }
0xa5: {  	s26 =	simm.s32 $execute0_lowered;
	[smem:$0x3FD2] =	sst s25  }
0xa6: {  	s4 =	sshll.u32 s26, $0x1;
	_ =	strace $0x80000046;
	[dreg:$0x1] =	wrdreg $0xFFFFFFFF  }
0xa7: {  	s28 =	simm.s32 $_size_execute0_lowered;
	s2 =	sadd.s32 s2, s4;
	[dreg:$0x0] =	wrdreg $0x0  }
0xa8: {  	s4 =	sshll.u32 s28, $0x1;
	[dreg:$0x2] =	wrdreg s2  }
0xa9: {  	[dreg:$0x3] =	wrdreg s4  }
0xaa: {  	[dreg:$0x4] =	wrdreg $0xC0  }
0xab: {  	_ =	task [dreg:s6], $0x5FFFF  }
0xac: {  	[dreg:$0x1] =	wrdreg $0xFFFFFFFF  }
0xad: {  	[dreg:$0x0] =	wrdreg $0x60  }
0xae: {  	[dreg:$0x2] =	wrdreg s24  }
0xaf: {  	[dreg:$0x3] =	wrdreg $0x41000  }
0xb0: {  	[dreg:$0x4] =	wrdreg $0x9  }
0xb1: {  	_ =	task.clear_ibuf [dreg:s6], $0x5FFFF;
	_ =	strace $0x90000046  }
0xb2: {  	s29 =	simm.s32 $0x9;
	_ =	strace $0x80000048  }
0xb3: {  	_ =	swait.ge [sflag:s29], $0x1  }
0xb4: {  	[sflag:s29] =	ssyncadd.s32 $0xFFFFFFFF  }
0xb5: {  	_ =	strace $0x90000048  }
0xb6: {  	_ =	sfence  }
0xb7: {  	s30 =	sld [smem:$0x0];
	_ =	sdelay $0x2  }
0xb8: {  	s31 =	sshll.u32 s1, $0xD;
	s1 =	sshrl.u32 s1, $0x2  }
0xb9: {  	s3 =	sand.u32 $0x4000, s31;
	s1 =	sadd.s32 s1, s30  }
0xba: {  	s0 =	sor.u32 s3, s0;
	s1 =	sshll.u32 s1, $0x11  }
0xbb: {  	s0 =	sor.u32 s1, s0  }
0xbc: {  	s0 =	sadd.s32 $0x8F2B, s0  }
0xbd: {  	[sflag:s0] =	ssyncadd.remote.s32 $0x1  }
0xbe: {  	_ =	sfence.sel $0xFFFF  }
0xbf: {  	[dreg:$0x0] =	wrdreg $0xFFFFFFFF;
	(pc) =	sbr.abs _section_cstart, $3  }
0xc0: {  	[dreg:$0x1] =	wrdreg $0xFFFFFFFF  }
0xc1: {  	_ =	task.clear_ibuf [dreg:s6], $0x2FFFF;
	_ =	strace $0x9FFFFFFF  }
0xc2: {  	(tm) =	ssettm $0x7FFFFFFF  }
0xc3: {  	_ =	shalt  }
tec
execute0_lowered:
.L_overlay_start_1:
0x0: {  	(tag) =	ssettag $0x1  }
0x1: {  	s6 =	rddreg [dreg:$0x0]  }
0x2: {  	s2 =	rddreg [dreg:$0x1]  }
0x3: {  	s0 =	rddreg [dreg:$0x2]  }
0x4: {  	s1 =	stileid.u32;
	s4 =	srdreg.scid;
	s3 =	simm.s32 $0x0  }
0x5: {  	s13 =	simm.s32 $0x80;
	s14 =	simm.s32 $0x0;
	s5 =	smul.u32 $0xA00, s1  }
0x6: {  	s7 =	sand.u32 $0x1, s4;
	[smem:$0x7FF] =	sst s3;
	s9 =	smul.u32 $0x14000, s1  }
0x7: {  	s4 =	sadd.s32 $0xC000, s6;
	s11 =	smul.u32 $0x50000, s1;
	s31 =	sshll.u32 s1, $0x6  }
0x8: {  	s8 =	smul.u32 $0x140000, s7;
	_ =	strace $0x80000047;
	s25 =	ssub.s32 $0x2, s7  }
0x9: {  	s7 =	smul.u32 $0x500, s7;
	s10 =	sadd.s32 s5, s6;
	s5 =	sadd.s32 $0xC800, s6  }
0xa: {  	s12 =	sshrl.u32 s25, $0x1;
	s28 =	sshrl.u32 s11, $0x2;
	s11 =	sor.u32 $0x1C01, s31  }
0xb: {  	s8 =	sadd.s32 s9, s8;
	s26 =	ssub.s32 s25, s12;
	s29 =	sadd.s32 s28, s2  }
0xc: {  	s30 =	sadd.s32 s7, s10;
	s9 =	simm.s32 $0x100;
	s8 =	sshrl.u32 s8, $0x3  }
0xd: {  	s10 =	simm.s32 $0x1;
	s7 =	smax.u32 s26, $0x1;
	s6 =	sadd.s32 s8, s6  }
0xe: {  	s12 =	sshrl.u32 s29, $0x3;
	s8 =	sadd.s32 $0x2000, s30;
	s6 =	sadd.s32 $0xF000, s6  }
.LBB2_1:
0xf: {  	[tilespmem:s9], [sflag:$0x1] =	stream.linear.gather [hbm4b:s4+s3], $0x4000, $0x38;
	[tilespmem:$0x18100] =	vst v63  }
0x10: {  	_ =	swait.ge [sflag:s10], $0x4000  }
0x11: {  	[sflag:s10] =	ssyncset.done $0x0  }
0x12: {  	[sflag:s10] =	ssyncadd.s32 $0xFFFFC000  }
0x13: {  	[spmem:s12], [sflag:s11] =	dma.local [hbm:s5], $0x2800  }
0x14: {  	_ =	swait.ge [sflag:s10], $0x2800  }
0x15: {  	[sflag:s10] =	ssyncset.done $0x0  }
0x16: {  	[sflag:s10] =	ssyncadd.s32 $0xFFFFD800  }
0x17: {  	s15 =	sadd.s32 $0x0, s8;
	[bflag:$0x0] =	sbarrier.arrive $0xFFFF  }
0x18: {  	[tilespmem:s3], [sflag:$0x1] =	stream.linear.gather [hbm4b:s15+s3], $0x100, $0x38;
	[tilespmem:$0x18100] =	vst v63  }
0x19: {  	_ =	swait.ge [sflag:s10], $0x100  }
0x1a: {  	[sflag:s10] =	ssyncset.done $0x0  }
0x1b: {  	[sflag:s10] =	ssyncadd.s32 $0xFFFFFF00  }
0x1c: {  	[spmem:s2] =	stream.indirect.scatter.add.f32 [tilespmem:s9], [sflag:$0x1], $0x80, s3, s13, $0xb8;
	[tilespmem:$0x18100] =	vst v63  }
0x1d: {  	_ =	swait.ge [sflag:s10], $0x4000  }
0x1e: {  	[sflag:s10] =	ssyncset.done $0x0  }
0x1f: {  	[sflag:s10] =	ssyncadd.s32 $0xFFFFC000  }
0x20: {  	[spmem:s2] =	stream.indirect.scatter.add.f32 [tilespmem:s9], [sflag:$0x1], $0x80, s13, s13, $0xb8;
	[tilespmem:$0x18100] =	vst v63  }
0x21: {  	_ =	swait.ge [sflag:s10], $0x4000  }
0x22: {  	s16 =	simm.s32 $0x40;
	s15 =	simm.s32 $0x20;
	[sflag:s10] =	ssyncset.done $0x0  }
.LBB2_2:
0x23: {  	s17 =	sadd.s32 s15, s8  }
0x24: {  	[sflag:s10] =	ssyncadd.s32 $0xFFFFC000;
	s15 =	smov.u32 s16;
	s18 =	sadd.s32 $0x20, s16  }
0x25: {  	[tilespmem:s3], [sflag:$0x1] =	stream.linear.gather [hbm4b:s17+s3], $0x100, $0x38;
	[tilespmem:$0x18100] =	vst v63  }
0x26: {  	p0 =	sne.s32 s16, $0x4E0;
	_ =	swait.ge [sflag:s10], $0x100  }
0x27: {  	[sflag:s10] =	ssyncset.done $0x0  }
0x28: {  	[sflag:s10] =	ssyncadd.s32 $0xFFFFFF00  }
0x29: {  	[spmem:s2] =	stream.indirect.scatter.add.f32 [tilespmem:s9], [sflag:$0x1], $0x80, s3, s13, $0xb8;
	[tilespmem:$0x18100] =	vst v63  }
0x2a: {  	_ =	swait.ge [sflag:s10], $0x4000  }
.Ltmp0:
0x2b: {  	[sflag:s10] =	ssyncset.done $0x0;
	(pc) =	sbr.rel @p0 .LBB2_2-.Ltmp0, $4  }
0x2c: {  	[sflag:s10] =	ssyncadd.s32 $0xFFFFC000  }
0x2d: {  	[spmem:s2] =	stream.indirect.scatter.add.f32 [tilespmem:s9], [sflag:$0x1], $0x80, s13, s13, $0xb8;
	[tilespmem:$0x18100] =	vst v63  }
0x2e: {  	_ =	swait.ge [sflag:s10], $0x4000  }
0x2f: {  	s16 =	smov.u32 s18;
	[sflag:s10] =	ssyncset.done $0x0  }
0x30: {  	s15 =	sadd.s32 s15, s8;
	[sflag:s10] =	ssyncadd.s32 $0xFFFFC000  }
0x31: {  	[tilespmem:s3], [sflag:$0x1] =	stream.linear.gather [hbm4b:s15+s3], $0x100, $0x38;
	[tilespmem:$0x18100] =	vst v63  }
0x32: {  	_ =	swait.ge [sflag:s10], $0x100  }
0x33: {  	[sflag:s10] =	ssyncset.done $0x0  }
0x34: {  	[sflag:s10] =	ssyncadd.s32 $0xFFFFFF00  }
0x35: {  	[spmem:s2] =	stream.indirect.scatter.add.f32 [tilespmem:s9], [sflag:$0x1], $0x80, s3, s13, $0xb8;
	[tilespmem:$0x18100] =	vst v63  }
0x36: {  	_ =	swait.ge [sflag:s10], $0x4000  }
0x37: {  	[sflag:s10] =	ssyncset.done $0x0  }
0x38: {  	[sflag:s10] =	ssyncadd.s32 $0xFFFFC000  }
0x39: {  	[spmem:s2] =	stream.indirect.scatter.add.f32 [tilespmem:s9], [sflag:$0x1], $0x80, s13, s13, $0xb8;
	[tilespmem:$0x18100] =	vst v63  }
0x3a: {  	_ =	swait.ge [sflag:s10], $0x4000  }
0x3b: {  	s14 =	sadd.s32 $0x1, s14;
	[sflag:s10] =	ssyncset.done $0x0  }
0x3c: {  	p0 =	sne.s32 s14, s7;
	[sflag:s10] =	ssyncadd.s32 $0xFFFFC000  }
.Ltmp1:
0x3d: {  	[bflag:$0x0] =	sbarrier.arrive $0xFFFF;
	(pc) =	sbr.rel @p0 .LBB2_1-.Ltmp1, $4  }
0x3e: {  	[hbm:s6], [sflag:s11] =	dma.local [spmem:s12], $0x2800  }
0x3f: {  	_ =	swait.ge [sflag:s10], $0x2800  }
0x40: {  	[sflag:s10] =	ssyncset.done $0x0  }
0x41: {  	[sflag:s10] =	ssyncadd.s32 $0xFFFFD800  }
0x42: {  	_ =	sfence.sel $0x180000  }
0x43: {  	[bflag:$0x0] =	sbarrier.arrive $0xFFFF  }
0x44: {  	p0 =	sne.s32 s1, $0x0;
	_ =	strace $0x90000047  }
0x45: {  	s0 =	sadd.s32 @!p0 $0x100000, s0;
	[bflag:$0x2] =	sbarrier.arrive $0xFFFF  }
0x46: {  	[sflag:s0] =	ssyncadd.tile.s32 @!p0 $0x1;
	_ =	shalt  }
.Lfunc_end2:
_tile_overlayer_lowered:
.L_overlay_start_2:
0x47: {  	(tag) =	ssettag $0x2  }
0x48: {  	s0 =	rddreg [dreg:$0x0];
	s2 =	stileid.u32  }
0x49: {  	s1 =	rddreg [dreg:$0x1];
	p0 =	sne.s32 s2, $0x0  }
0x4a: {  	s3 =	rddreg [dreg:$0x2];
	[bflag:$0x3] =	sbarrier.arrive $0xFFFF;
	s2 =	simm.s32 @!p0 $0x1C01  }
0x4b: {  	[timem:s3], [sflag:s2] =	dma.local @!p0 [hbm:s0], s1  }
0x4c: {  	s0 =	simm.s32 @!p0 $0x1  }
0x4d: {  	_ =	swait.ge @!p0 [sflag:s0], s1  }
0x4e: {  	s1 =	ssub.s32 @!p0 $0x0, s1;
	[sflag:s0] =	ssyncset.done @!p0 $0x0  }
0x4f: {  	[sflag:s0] =	ssyncadd.s32 @!p0 s1  }
0x50: {  	[bflag:$0x3] =	sbarrier.arrive $0xFFFF  }
0x51: {  	_ =	shalt  }

</sc_bundles>
